<compile_context>
chip_gen: v7x
topology: tpu7x:2x2x1
jax: 0.10.2.dev20260603
libtpu: 0.0.44.dev20260713+nightly
codegen_flags: <defaults>
</compile_context>

<pallas_src>
import jax
import jax.numpy as jnp
from jax import lax
from jax.experimental import pallas as pl
from jax.experimental.pallas import tpu as pltpu
from jax.experimental.pallas import tpu_sc as plsc

_N = 10000
_E = 320000
_D = 128
_G = 32
_CH = 80
_CPT = 125
_EPT = _E // 32
_RPS = _N // 16
_ZR = 25

def _mesh():
    return plsc.VectorSubcoreMesh(core_axis_name="c", subcore_axis_name="s",
                                  num_cores=2, num_subcores=16)


def _leaky(v):
    return jnp.where(v >= 0, v, 0.01 * v)


def _deg_body(dst_hbm, out_hbm, dstv, part):
    wid = lax.axis_index("c") * 16 + lax.axis_index("s")
    zero16 = jnp.zeros((16,), jnp.float32)
    ones16 = jnp.ones((16,), jnp.float32)

    def zrow(k, _):
        part[pl.ds(k * 16, 16)] = zero16
        return 0
    lax.fori_loop(0, _N // 16, zrow, 0)

    pltpu.sync_copy(dst_hbm.at[pl.ds(wid * _EPT, _EPT)], dstv)

    def step(k, _):
        idx = dstv[pl.ds(k * 16, 16)]
        plsc.addupdate_scatter(part, [idx], ones16)
        return 0
    lax.fori_loop(0, _EPT // 16, step, 0)

    pltpu.sync_copy(part, out_hbm.at[wid])


def _deg_call(f):
    return pl.kernel(
        f,
        mesh=_mesh(),
        compiler_params=pltpu.CompilerParams(needs_layout_passes=False),
        out_type=jax.ShapeDtypeStruct((32, _N), jnp.float32),
        scratch_types=[
            pltpu.VMEM((_EPT,), jnp.int32),
            pltpu.VMEM((_N,), jnp.float32),
        ],
    )


def _spmm_body(y_hbm, src_hbm, dst_hbm, out_hbm, srcv, dstv, rowsv0, rowsv1,
               rowsv2, acc, semz, semg0, semg1, semg2):
    cid = lax.axis_index("c")
    sid = lax.axis_index("s")
    wid = cid * 16 + sid
    zero16 = jnp.zeros((16,), jnp.float32)

    def zrow(r, _):
        for j in range(_D // 16):
            rowsv2[r, pl.ds(j * 16, 16)] = zero16
        return 0
    lax.fori_loop(0, _ZR, zrow, 0)

    def zslab(j, _):
        pltpu.async_copy(rowsv2.at[pl.ds(0, _ZR)],
                         acc.at[pl.ds(sid * _RPS + j * _ZR, _ZR)], semz)
        return 0
    lax.fori_loop(0, _RPS // _ZR, zslab, 0)

    pltpu.sync_copy(src_hbm.at[pl.ds(wid * _CPT, _CPT)], srcv)
    pltpu.sync_copy(dst_hbm.at[pl.ds(wid * _CPT, _CPT)], dstv)

    bufs = (rowsv0, rowsv1, rowsv2)
    sems = (semg0, semg1, semg2)
    pltpu.async_copy(y_hbm.at[srcv.at[0]], rowsv0, semg0)
    pltpu.async_copy(y_hbm.at[srcv.at[1]], rowsv1, semg1)

    def zdrain(j, _):
        pltpu.make_async_copy(rowsv2.at[pl.ds(0, _ZR)],
                              acc.at[pl.ds(sid * _RPS + j * _ZR, _ZR)],
                              semz).wait()
        return 0
    lax.fori_loop(0, _RPS // _ZR, zdrain, 0)
    plsc.subcore_barrier()


    def trip(j, _):
        k = j * 3
        for b in range(3):
            pltpu.make_async_copy(y_hbm.at[srcv.at[k + b]], bufs[b],
                                  sems[b]).wait()

            @pl.when(k + b + 2 < _CPT)
            def _():
                pltpu.async_copy(y_hbm.at[srcv.at[k + b + 2]],
                                 bufs[(b + 2) % 3], sems[(b + 2) % 3])

            pltpu.sync_copy(bufs[b], acc.at[dstv.at[k + b]], add=True)
        return 0
    lax.fori_loop(0, _CPT // 3, trip, 0)

    for k in range((_CPT // 3) * 3, _CPT):
        b = k % 3
        pltpu.make_async_copy(y_hbm.at[srcv.at[k]], bufs[b], sems[b]).wait()
        pltpu.sync_copy(bufs[b], acc.at[dstv.at[k]], add=True)

    plsc.subcore_barrier()
    pltpu.sync_copy(acc.at[pl.ds(sid * _RPS, _RPS)],
                    out_hbm.at[cid, pl.ds(sid * _RPS, _RPS)])


def _spmm_call(f):
    return pl.kernel(
        f,
        mesh=_mesh(),
        compiler_params=pltpu.CompilerParams(needs_layout_passes=False,
                                             use_tc_tiling_on_sc=False),
        out_type=jax.ShapeDtypeStruct((2, _N, _D), jnp.float32),
        scratch_types=[
            pltpu.VMEM((_CPT, _CH), jnp.int32),
            pltpu.VMEM((_CPT, _CH), jnp.int32),
            pltpu.VMEM((_CH, _D), jnp.float32),
            pltpu.VMEM((_CH, _D), jnp.float32),
            pltpu.VMEM((_CH, _D), jnp.float32),
            pltpu.VMEM_SHARED((_N, _D), jnp.float32),
            pltpu.SemaphoreType.DMA,
            pltpu.SemaphoreType.DMA,
            pltpu.SemaphoreType.DMA,
            pltpu.SemaphoreType.DMA,
        ],
    )


_BN = 2000


def _tc0_body(x_ref, w_ref, xw_ref):
    xw_ref[...] = jnp.dot(x_ref[...], w_ref[...],
                          preferred_element_type=jnp.float32)


def _tc0(x, W1):
    return pl.pallas_call(
        _tc0_body,
        grid=(_N // _BN,),
        in_specs=[
            pl.BlockSpec((_BN, _D), lambda i: (i, 0)),
            pl.BlockSpec((_D, _D), lambda i: (0, 0)),
        ],
        out_specs=pl.BlockSpec((_BN, _D), lambda i: (i, 0)),
        out_shape=jax.ShapeDtypeStruct((_N, _D), jnp.float32),
    )(x, W1)


def _tc1_body(xw_ref, degp_ref, y_ref, dinv_ref):
    deg = jnp.sum(degp_ref[...], axis=1) + 1.0
    dv = lax.rsqrt(deg)
    y_ref[...] = xw_ref[...] * dv[:, None]
    dinv_ref[...] = dv[:, None]


def _tc1(xw, degp):
    return pl.pallas_call(
        _tc1_body,
        grid=(_N // _BN,),
        in_specs=[
            pl.BlockSpec((_BN, _D), lambda i: (i, 0)),
            pl.BlockSpec((_BN, 32), lambda i: (i, 0)),
        ],
        out_specs=[
            pl.BlockSpec((_BN, _D), lambda i: (i, 0)),
            pl.BlockSpec((_BN, 1), lambda i: (i, 0)),
        ],
        out_shape=[
            jax.ShapeDtypeStruct((_N, _D), jnp.float32),
            jax.ShapeDtypeStruct((_N, 1), jnp.float32),
        ],
    )(xw, degp)


def _tc2_body(a0_ref, a1_ref, xw_ref, dinv_ref, w_ref, b_ref, xw2_ref, y2_ref):
    dv = dinv_ref[...]
    h = _leaky(dv * (a0_ref[0] + a1_ref[0]) + dv * dv * xw_ref[...] + b_ref[...])
    xw2 = jnp.dot(h, w_ref[...], preferred_element_type=jnp.float32)
    xw2_ref[...] = xw2
    y2_ref[...] = xw2 * dv


def _tc2(accs, xw1, dinv, W2, b1):
    return pl.pallas_call(
        _tc2_body,
        grid=(_N // _BN,),
        in_specs=[
            pl.BlockSpec((1, _BN, _D), lambda i: (0, i, 0)),
            pl.BlockSpec((1, _BN, _D), lambda i: (1, i, 0)),
            pl.BlockSpec((_BN, _D), lambda i: (i, 0)),
            pl.BlockSpec((_BN, 1), lambda i: (i, 0)),
            pl.BlockSpec((_D, _D), lambda i: (0, 0)),
            pl.BlockSpec((1, _D), lambda i: (0, 0)),
        ],
        out_specs=[
            pl.BlockSpec((_BN, _D), lambda i: (i, 0)),
            pl.BlockSpec((_BN, _D), lambda i: (i, 0)),
        ],
        out_shape=[
            jax.ShapeDtypeStruct((_N, _D), jnp.float32),
            jax.ShapeDtypeStruct((_N, _D), jnp.float32),
        ],
    )(accs, accs, xw1, dinv, W2, b1)


def _tc3_body(a0_ref, a1_ref, xw_ref, dinv_ref, b_ref, batch_ref,
              wf1_ref, bf1_ref, wf2_ref, bf2_ref, wo_ref, bo_ref,
              out_ref, pooled, cnt):
    i = pl.program_id(0)

    @pl.when(i == 0)
    def _():
        pooled[...] = jnp.zeros_like(pooled)
        cnt[...] = jnp.zeros_like(cnt)

    dv = dinv_ref[...]
    h = _leaky(dv * (a0_ref[0] + a1_ref[0]) + dv * dv * xw_ref[...] + b_ref[...])
    b = batch_ref[0, 0, :]
    gi = lax.broadcasted_iota(jnp.int32, (_G, _BN), 0)
    oh = (b[None, :] == gi).astype(jnp.float32)
    pooled[...] += jnp.dot(oh, h, preferred_element_type=jnp.float32,
                           precision=lax.Precision.HIGHEST)
    cnt[...] += jnp.broadcast_to(jnp.sum(oh, axis=1, keepdims=True), (_G, _D))

    @pl.when(i == _N // _BN - 1)
    def _():
        g = pooled[...] / jnp.maximum(cnt[...], 1.0)
        f = _leaky(jnp.dot(g, wf1_ref[...], preferred_element_type=jnp.float32)
                   + bf1_ref[...])
        f = _leaky(jnp.dot(f, wf2_ref[...], preferred_element_type=jnp.float32)
                   + bf2_ref[...])
        out_ref[...] = jnp.dot(f, wo_ref[...], preferred_element_type=jnp.float32) \
            + bo_ref[...]


def _tc3(accs, xw2, dinv, b2, batch3, Wf1, bf1, Wf2, bf2, Wo, bo):
    return pl.pallas_call(
        _tc3_body,
        grid=(_N // _BN,),
        in_specs=[
            pl.BlockSpec((1, _BN, _D), lambda i: (0, i, 0)),
            pl.BlockSpec((1, _BN, _D), lambda i: (1, i, 0)),
            pl.BlockSpec((_BN, _D), lambda i: (i, 0)),
            pl.BlockSpec((_BN, 1), lambda i: (i, 0)),
            pl.BlockSpec((1, _D), lambda i: (0, 0)),
            pl.BlockSpec((1, 1, _BN), lambda i: (i, 0, 0)),
            pl.BlockSpec((_D, 64), lambda i: (0, 0)),
            pl.BlockSpec((1, 64), lambda i: (0, 0)),
            pl.BlockSpec((64, 32), lambda i: (0, 0)),
            pl.BlockSpec((1, 32), lambda i: (0, 0)),
            pl.BlockSpec((32, 1), lambda i: (0, 0)),
            pl.BlockSpec((1, 1), lambda i: (0, 0)),
        ],
        out_specs=pl.BlockSpec((_G, 1), lambda i: (0, 0)),
        out_shape=jax.ShapeDtypeStruct((_G, 1), jnp.float32),
        scratch_shapes=[
            pltpu.VMEM((_G, _D), jnp.float32),
            pltpu.VMEM((_G, _D), jnp.float32),
        ],
    )(accs, accs, xw2, dinv, b2, batch3, Wf1, bf1, Wf2, bf2, Wo, bo)


def kernel(x, edge_index, batch, W1, b1, W2, b2, Wf1, bf1, Wf2, bf2, Wo, bo):
    src = edge_index[0]
    dst = edge_index[1]
    src2 = src.reshape(32 * _CPT, _CH)
    dst2 = dst.reshape(32 * _CPT, _CH)

    degp = _deg_call(_deg_body)(dst)
    xw1 = _tc0(x, W1)
    y1, dinv = _tc1(xw1, degp.T)
    accs1 = _spmm_call(_spmm_body)(y1, src2, dst2)
    xw2, y2 = _tc2(accs1, xw1, dinv, W2, b1.reshape(1, _D))
    accs2 = _spmm_call(_spmm_body)(y2, src2, dst2)
    out = _tc3(accs2, xw2, dinv, b2.reshape(1, _D),
               batch.reshape(_N // _BN, 1, _BN),
               Wf1, bf1.reshape(1, 64), Wf2, bf2.reshape(1, 32),
               Wo, bo.reshape(1, 1))
    return out

# --- scband reference (transcript-rebuilt; emitter-appended) ---
"""Pipeline reference for scband-multi-gcn-14903536517245 (READ-ONLY COPY).

The authoritative reference and input builder live on the scoring server;
editing this copy changes nothing except your own understanding.
"""

import jax, jax.numpy as jnp
import numpy as np

N = 10000
E = 320000
D = 128
H = 128
G = 32

def setup_inputs(seed: int = 0) -> dict:
    key = jax.random.key(seed)
    ks = jax.random.split(key, 12)
    x = jax.random.normal(ks[0], (N, D), dtype=jnp.float32)
    edge_index = jax.random.randint(ks[1], (2, E), 0, N, dtype=jnp.int32)
    batch = jnp.sort(jax.random.randint(ks[2], (N,), 0, G, dtype=jnp.int32))
    s = 1.0 / np.sqrt(D)
    W1 = jax.random.uniform(ks[3], (D, H), jnp.float32, -s, s)
    b1 = jnp.zeros((H,), jnp.float32)
    W2 = jax.random.uniform(ks[4], (H, H), jnp.float32, -s, s)
    b2 = jnp.zeros((H,), jnp.float32)
    Wf1 = jax.random.uniform(ks[5], (H, 64), jnp.float32, -s, s)
    bf1 = jnp.zeros((64,), jnp.float32)
    Wf2 = jax.random.uniform(ks[6], (64, 32), jnp.float32, -0.125, 0.125)
    bf2 = jnp.zeros((32,), jnp.float32)
    Wo = jax.random.uniform(ks[7], (32, 1), jnp.float32, -0.176, 0.176)
    bo = jnp.zeros((1,), jnp.float32)
    return {"x": x, "edge_index": edge_index, "batch": batch,
            "W1": W1, "b1": b1, "W2": W2, "b2": b2,
            "Wf1": Wf1, "bf1": bf1, "Wf2": Wf2, "bf2": bf2,
            "Wo": Wo, "bo": bo}

def _gcn_conv(x, src, dst, W, b):
    n = x.shape[0]
    # in-degree with self-loops (PyG GCNConv symmetric normalization)
    deg = jnp.ones((n,), x.dtype).at[dst].add(1.0)
    dinv = jax.lax.rsqrt(deg)
    xw = x @ W
    norm = (dinv[src] * dinv[dst])[:, None]
    msg = jnp.take(xw, src, axis=0) * norm
    agg = jnp.zeros_like(xw).at[dst].add(msg)
    agg = agg + xw * (dinv * dinv)[:, None]  # self-loop contribution
    return agg + b

def _leaky(x):
    return jnp.where(x >= 0, x, 0.01 * x)

def reference(x, edge_index, batch, W1, b1, W2, b2, Wf1, bf1, Wf2, bf2, Wo, bo):
    src = edge_index[0]
    dst = edge_index[1]
    h = _leaky(_gcn_conv(x, src, dst, W1, b1))
    h = _leaky(_gcn_conv(h, src, dst, W2, b2))
    # global mean pool per graph
    gsum = jax.ops.segment_sum(h, batch, num_segments=G)
    cnt = jax.ops.segment_sum(jnp.ones((h.shape[0], 1), h.dtype), batch, num_segments=G)
    g = gsum / jnp.maximum(cnt, 1.0)
    # fc head: 2 hidden layers + scalar output
    f = _leaky(g @ Wf1 + bf1)
    f = _leaky(f @ Wf2 + bf2)
    out = f @ Wo + bo
    return out

if __name__ == "__main__":
    import jax
    _d = setup_inputs()
    print(jax.jit(kernel)(*tuple(_d.values())))

</pallas_src>

<mosaic_0001>
#map = affine_map<(d0, d1) -> (0)>
#map1 = affine_map<(d0, d1) -> (0, 0)>
module attributes {stable_mosaic.version = 14 : i64} {
  func.func @_deg_body(%arg0: i32, %arg1: i32, %arg2: memref<320000xi32, #tpu.memory_space<hbm>>, %arg3: memref<32x10000xf32, #tpu.memory_space<hbm>>, %arg4: memref<10000xi32, #tpu.memory_space<vmem>>, %arg5: memref<10000xf32, #tpu.memory_space<vmem>>) attributes {dimension_semantics = [#tpu.dimension_semantics<core_parallel>, #tpu.dimension_semantics<subcore_parallel>], iteration_bounds = array<i64: 2, 16>, scalar_prefetch = 0 : i64, scratch_operands = 2 : i64, tpu.core_type = #tpu.core_type<sc_vector_subcore>, window_params = [{transform_indices = #map}, {transform_indices = #map1}]} {
    %mul3A = arith.constant 16 : i32
    %mul3A_0 = arith.muli %arg0, %mul3A : i32
    %add3A = arith.addi %mul3A_0, %arg1 : i32
    %broadcast_in_dim3A = arith.constant 0.000000e+00 : f32
    %broadcast_in_dim3A_1 = vector.broadcast %broadcast_in_dim3A : f32 to vector<16xf32>
    %broadcast_in_dim3A_2 = arith.constant 1.000000e+00 : f32
    %broadcast_in_dim3A_3 = vector.broadcast %broadcast_in_dim3A_2 : f32 to vector<16xf32>
    %scan3A = arith.constant 0 : i32
    %scan3A_4 = arith.constant 0 : i32
    %scan3A_5 = arith.constant 625 : i32
    %scan3A_6 = arith.addi %scan3A_4, %scan3A_5 : i32
    %scan3A_7 = arith.constant 1 : i32
    %scan3A_8 = scf.for %scan3A_19 = %scan3A_4 to %scan3A_6 step %scan3A_7 iter_args(%scan3A_20 = %scan3A) -> (i32)  : i32 {
      %mul3A_21 = arith.constant 16 : i32
      %mul3A_22 = arith.muli %scan3A_19, %mul3A_21 : i32
      %swap3A = arith.index_cast %mul3A_22 : i32 to index
      %swap3A_23 = tpu.vector_load %arg5[%swap3A] {strides = array<i32>} : memref<10000xf32, #tpu.memory_space<vmem>>, vector<16xf32>,
      tpu.vector_store %arg5[%swap3A], %broadcast_in_dim3A_1 {strides = array<i32>} : memref<10000xf32, #tpu.memory_space<vmem>>, vector<16xf32>,
      %scan3A_24 = arith.constant 0 : i32
      scf.yield %scan3A_24 : i32
    }
    %scan3A_9 = arith.constant 625 : i32
    %mul3A_10 = arith.constant 10000 : i32
    %mul3A_11 = arith.muli %add3A, %mul3A_10 : i32
    "tpu.region"() ({
      %run_scoped3A = tpu.sem_alloc : memref<!tpu.dma_semaphore, #tpu.memory_space<semaphore_mem>>
      %dma_start3A = tpu.memref_slice %arg2[%mul3A_11] : memref<320000xi32, #tpu.memory_space<hbm>> -> memref<10000xi32, #tpu.memory_space<hbm>>
      %dma_start3A_19 = tpu.memref_slice %arg2[%mul3A_11] : memref<320000xi32, #tpu.memory_space<hbm>> -> memref<10000xi32, #tpu.memory_space<hbm>>
      tpu.enqueue_dma source(%dma_start3A_19 : memref<10000xi32, #tpu.memory_space<hbm>>) target(%arg4 : memref<10000xi32, #tpu.memory_space<vmem>>) target_semaphore(%run_scoped3A : memref<!tpu.dma_semaphore, #tpu.memory_space<semaphore_mem>>)
      %dma_wait3A = tpu.memref_slice %arg2[%mul3A_11] : memref<320000xi32, #tpu.memory_space<hbm>> -> memref<10000xi32, #tpu.memory_space<hbm>>
      %dma_wait3A_20 = tpu.memref_slice %arg2[%mul3A_11] : memref<320000xi32, #tpu.memory_space<hbm>> -> memref<10000xi32, #tpu.memory_space<hbm>>
      tpu.wait_dma2 semaphore(%run_scoped3A : memref<!tpu.dma_semaphore, #tpu.memory_space<semaphore_mem>>) src(%dma_wait3A_20 : memref<10000xi32, #tpu.memory_space<hbm>>) dst(%arg4 : memref<10000xi32, #tpu.memory_space<vmem>>)
      tpu.yield
    }) : () -> ()
    %scan3A_12 = arith.constant 0 : i32
    %scan3A_13 = arith.constant 0 : i32
    %scan3A_14 = arith.constant 625 : i32
    %scan3A_15 = arith.addi %scan3A_13, %scan3A_14 : i32
    %scan3A_16 = arith.constant 1 : i32
    %scan3A_17 = scf.for %scan3A_19 = %scan3A_13 to %scan3A_15 step %scan3A_16 iter_args(%scan3A_20 = %scan3A_12) -> (i32)  : i32 {
      %mul3A_21 = arith.constant 16 : i32
      %mul3A_22 = arith.muli %scan3A_19, %mul3A_21 : i32
      %get3A = arith.index_cast %mul3A_22 : i32 to index
      %get3A_23 = tpu.vector_load %arg4[%get3A] {strides = array<i32>} : memref<10000xi32, #tpu.memory_space<vmem>>, vector<16xi32>,
      tpu.vector_store_idx %arg5[%get3A_23], %broadcast_in_dim3A_3 {add = true} : memref<10000xf32, #tpu.memory_space<vmem>>[vector<16xi32>], vector<16xf32>,
      %scan3A_24 = arith.constant 0 : i32
      scf.yield %scan3A_24 : i32
    }
    %scan3A_18 = arith.constant 625 : i32
    "tpu.region"() ({
      %run_scoped3A = tpu.sem_alloc : memref<!tpu.dma_semaphore, #tpu.memory_space<semaphore_mem>>
      %dma_start3A = arith.constant 0 : i32
      %dma_start3A_19 = tpu.memref_slice %arg3[%add3A, %dma_start3A] : memref<32x10000xf32, #tpu.memory_space<hbm>> -> memref<1x10000xf32, #tpu.memory_space<hbm>>
      %dma_start3A_20 = tpu.memref_squeeze %dma_start3A_19 : memref<1x10000xf32, #tpu.memory_space<hbm>> -> memref<10000xf32, #tpu.memory_space<hbm>>
      %dma_start3A_21 = arith.constant 0 : i32
      %dma_start3A_22 = tpu.memref_slice %arg3[%add3A, %dma_start3A_21] : memref<32x10000xf32, #tpu.memory_space<hbm>> -> memref<1x10000xf32, #tpu.memory_space<hbm>>
      %dma_start3A_23 = tpu.memref_squeeze %dma_start3A_22 : memref<1x10000xf32, #tpu.memory_space<hbm>> -> memref<10000xf32, #tpu.memory_space<hbm>>
      tpu.enqueue_dma source(%arg5 : memref<10000xf32, #tpu.memory_space<vmem>>) target(%dma_start3A_23 : memref<10000xf32, #tpu.memory_space<hbm>>) target_semaphore(%run_scoped3A : memref<!tpu.dma_semaphore, #tpu.memory_space<semaphore_mem>>)
      %dma_wait3A = arith.constant 0 : i32
      %dma_wait3A_24 = tpu.memref_slice %arg3[%add3A, %dma_wait3A] : memref<32x10000xf32, #tpu.memory_space<hbm>> -> memref<1x10000xf32, #tpu.memory_space<hbm>>
      %dma_wait3A_25 = tpu.memref_squeeze %dma_wait3A_24 : memref<1x10000xf32, #tpu.memory_space<hbm>> -> memref<10000xf32, #tpu.memory_space<hbm>>
      %dma_wait3A_26 = arith.constant 0 : i32
      %dma_wait3A_27 = tpu.memref_slice %arg3[%add3A, %dma_wait3A_26] : memref<32x10000xf32, #tpu.memory_space<hbm>> -> memref<1x10000xf32, #tpu.memory_space<hbm>>
      %dma_wait3A_28 = tpu.memref_squeeze %dma_wait3A_27 : memref<1x10000xf32, #tpu.memory_space<hbm>> -> memref<10000xf32, #tpu.memory_space<hbm>>
      tpu.wait_dma2 semaphore(%run_scoped3A : memref<!tpu.dma_semaphore, #tpu.memory_space<semaphore_mem>>) src(%arg5 : memref<10000xf32, #tpu.memory_space<vmem>>) dst(%dma_wait3A_28 : memref<10000xf32, #tpu.memory_space<hbm>>)
      tpu.yield
    }) : () -> ()
    return
  }
}

#map = affine_map<(d0, d1) -> (0, 0)>
#map1 = affine_map<(d0, d1) -> (0, 0, 0)>
module attributes {stable_mosaic.version = 14 : i64} {
  func.func @_spmm_body(%arg0: i32, %arg1: i32, %arg2: memref<10000x128xf32, #tpu.memory_space<hbm>>, %arg3: memref<4000x80xi32, #tpu.memory_space<hbm>>, %arg4: memref<4000x80xi32, #tpu.memory_space<hbm>>, %arg5: memref<2x10000x128xf32, #tpu.memory_space<hbm>>, %arg6: memref<125x80xi32, #tpu.memory_space<vmem>>, %arg7: memref<125x80xi32, #tpu.memory_space<vmem>>, %arg8: memref<80x128xf32, #tpu.memory_space<vmem>>, %arg9: memref<80x128xf32, #tpu.memory_space<vmem>>, %arg10: memref<80x128xf32, #tpu.memory_space<vmem>>, %arg11: memref<10000x128xf32, #tpu.memory_space<vmem_shared>>, %arg12: memref<!tpu.dma_semaphore, #tpu.memory_space<semaphore_mem>>, %arg13: memref<!tpu.dma_semaphore, #tpu.memory_space<semaphore_mem>>, %arg14: memref<!tpu.dma_semaphore, #tpu.memory_space<semaphore_mem>>, %arg15: memref<!tpu.dma_semaphore, #tpu.memory_space<semaphore_mem>>) attributes {dimension_semantics = [#tpu.dimension_semantics<core_parallel>, #tpu.dimension_semantics<subcore_parallel>], iteration_bounds = array<i64: 2, 16>, scalar_prefetch = 0 : i64, scratch_operands = 10 : i64, tpu.core_type = #tpu.core_type<sc_vector_subcore>, window_params = [{transform_indices = #map}, {transform_indices = #map}, {transform_indices = #map}, {transform_indices = #map1}]} {
    %mul3A = arith.constant 16 : i32
    %mul3A_0 = arith.muli %arg0, %mul3A : i32
    %add3A = arith.addi %mul3A_0, %arg1 : i32
    %broadcast_in_dim3A = arith.constant 0.000000e+00 : f32
    %broadcast_in_dim3A_1 = vector.broadcast %broadcast_in_dim3A : f32 to vector<16xf32>
    %scan3A = arith.constant 0 : i32
    %scan3A_2 = arith.constant 0 : i32
    %scan3A_3 = arith.constant 25 : i32
    %scan3A_4 = arith.addi %scan3A_2, %scan3A_3 : i32
    %scan3A_5 = arith.constant 1 : i32
    %scan3A_6 = scf.for %scan3A_65 = %scan3A_2 to %scan3A_4 step %scan3A_5 iter_args(%scan3A_66 = %scan3A) -> (i32)  : i32 {
      %swap3A = arith.index_cast %scan3A_65 : i32 to index
      %swap3A_67 = arith.constant 0 : index
      %swap3A_68 = tpu.vector_load %arg10[%swap3A, %swap3A_67] {strides = array<i32>} : memref<80x128xf32, #tpu.memory_space<vmem>>, vector<16xf32>,
      tpu.vector_store %arg10[%swap3A, %swap3A_67], %broadcast_in_dim3A_1 {strides = array<i32>} : memref<80x128xf32, #tpu.memory_space<vmem>>, vector<16xf32>,
      %swap3A_69 = arith.index_cast %scan3A_65 : i32 to index
      %swap3A_70 = arith.constant 16 : index
      %swap3A_71 = tpu.vector_load %arg10[%swap3A_69, %swap3A_70] {strides = array<i32>} : memref<80x128xf32, #tpu.memory_space<vmem>>, vector<16xf32>,
      tpu.vector_store %arg10[%swap3A_69, %swap3A_70], %broadcast_in_dim3A_1 {strides = array<i32>} : memref<80x128xf32, #tpu.memory_space<vmem>>, vector<16xf32>,
      %swap3A_72 = arith.index_cast %scan3A_65 : i32 to index
      %swap3A_73 = arith.constant 32 : index
      %swap3A_74 = tpu.vector_load %arg10[%swap3A_72, %swap3A_73] {strides = array<i32>} : memref<80x128xf32, #tpu.memory_space<vmem>>, vector<16xf32>,
      tpu.vector_store %arg10[%swap3A_72, %swap3A_73], %broadcast_in_dim3A_1 {strides = array<i32>} : memref<80x128xf32, #tpu.memory_space<vmem>>, vector<16xf32>,
      %swap3A_75 = arith.index_cast %scan3A_65 : i32 to index
      %swap3A_76 = arith.constant 48 : index
      %swap3A_77 = tpu.vector_load %arg10[%swap3A_75, %swap3A_76] {strides = array<i32>} : memref<80x128xf32, #tpu.memory_space<vmem>>, vector<16xf32>,
      tpu.vector_store %arg10[%swap3A_75, %swap3A_76], %broadcast_in_dim3A_1 {strides = array<i32>} : memref<80x128xf32, #tpu.memory_space<vmem>>, vector<16xf32>,
      %swap3A_78 = arith.index_cast %scan3A_65 : i32 to index
      %swap3A_79 = arith.constant 64 : index
      %swap3A_80 = tpu.vector_load %arg10[%swap3A_78, %swap3A_79] {strides = array<i32>} : memref<80x128xf32, #tpu.memory_space<vmem>>, vector<16xf32>,
      tpu.vector_store %arg10[%swap3A_78, %swap3A_79], %broadcast_in_dim3A_1 {strides = array<i32>} : memref<80x128xf32, #tpu.memory_space<vmem>>, vector<16xf32>,
      %swap3A_81 = arith.index_cast %scan3A_65 : i32 to index
      %swap3A_82 = arith.constant 80 : index
      %swap3A_83 = tpu.vector_load %arg10[%swap3A_81, %swap3A_82] {strides = array<i32>} : memref<80x128xf32, #tpu.memory_space<vmem>>, vector<16xf32>,
      tpu.vector_store %arg10[%swap3A_81, %swap3A_82], %broadcast_in_dim3A_1 {strides = array<i32>} : memref<80x128xf32, #tpu.memory_space<vmem>>, vector<16xf32>,
      %swap3A_84 = arith.index_cast %scan3A_65 : i32 to index
      %swap3A_85 = arith.constant 96 : index
      %swap3A_86 = tpu.vector_load %arg10[%swap3A_84, %swap3A_85] {strides = array<i32>} : memref<80x128xf32, #tpu.memory_space<vmem>>, vector<16xf32>,
      tpu.vector_store %arg10[%swap3A_84, %swap3A_85], %broadcast_in_dim3A_1 {strides = array<i32>} : memref<80x128xf32, #tpu.memory_space<vmem>>, vector<16xf32>,
      %swap3A_87 = arith.index_cast %scan3A_65 : i32 to index
      %swap3A_88 = arith.constant 112 : index
      %swap3A_89 = tpu.vector_load %arg10[%swap3A_87, %swap3A_88] {strides = array<i32>} : memref<80x128xf32, #tpu.memory_space<vmem>>, vector<16xf32>,
      tpu.vector_store %arg10[%swap3A_87, %swap3A_88], %broadcast_in_dim3A_1 {strides = array<i32>} : memref<80x128xf32, #tpu.memory_space<vmem>>, vector<16xf32>,
      %scan3A_90 = arith.constant 0 : i32
      scf.yield %scan3A_90 : i32
    }
    %scan3A_7 = arith.constant 25 : i32
    %scan3A_8 = arith.constant 0 : i32
    %scan3A_9 = arith.constant 0 : i32
    %scan3A_10 = arith.constant 25 : i32
    %scan3A_11 = arith.addi %scan3A_9, %scan3A_10 : i32
    %scan3A_12 = arith.constant 1 : i32
    %scan3A_13 = scf.for %scan3A_65 = %scan3A_9 to %scan3A_11 step %scan3A_12 iter_args(%scan3A_66 = %scan3A_8) -> (i32)  : i32 {
      %mul3A_67 = arith.constant 625 : i32
      %mul3A_68 = arith.muli %arg1, %mul3A_67 : i32
      %mul3A_69 = arith.constant 25 : i32
      %mul3A_70 = arith.muli %scan3A_65, %mul3A_69 : i32
      %add3A_71 = arith.addi %mul3A_68, %mul3A_70 : i32
      %dma_start3A_72 = arith.constant 0 : i32
      %dma_start3A_73 = arith.constant 0 : i32
      %dma_start3A_74 = tpu.memref_slice %arg10[%dma_start3A_72, %dma_start3A_73] : memref<80x128xf32, #tpu.memory_space<vmem>> -> memref<25x128xf32, #tpu.memory_space<vmem>>
      %dma_start3A_75 = arith.constant 0 : i32
      %dma_start3A_76 = tpu.memref_slice %arg11[%add3A_71, %dma_start3A_75] : memref<10000x128xf32, #tpu.memory_space<vmem_shared>> -> memref<25x128xf32, #tpu.memory_space<vmem_shared>>
      %dma_start3A_77 = arith.constant 0 : i32
      %dma_start3A_78 = tpu.memref_slice %arg11[%add3A_71, %dma_start3A_77] : memref<10000x128xf32, #tpu.memory_space<vmem_shared>> -> memref<25x128xf32, #tpu.memory_space<vmem_shared>>
      %dma_start3A_79 = arith.constant 0 : i32
      %dma_start3A_80 = arith.constant 0 : i32
      %dma_start3A_81 = tpu.memref_slice %arg10[%dma_start3A_79, %dma_start3A_80] : memref<80x128xf32, #tpu.memory_space<vmem>> -> memref<25x128xf32, #tpu.memory_space<vmem>>
      tpu.enqueue_dma source(%dma_start3A_81 : memref<25x128xf32, #tpu.memory_space<vmem>>) target(%dma_start3A_78 : memref<25x128xf32, #tpu.memory_space<vmem_shared>>) target_semaphore(%arg12 : memref<!tpu.dma_semaphore, #tpu.memory_space<semaphore_mem>>)
      %scan3A_82 = arith.constant 0 : i32
      scf.yield %scan3A_82 : i32
    }
    %scan3A_14 = arith.constant 25 : i32
    %mul3A_15 = arith.constant 125 : i32
    %mul3A_16 = arith.muli %add3A, %mul3A_15 : i32
    "tpu.region"() ({
      %run_scoped3A_65 = tpu.sem_alloc : memref<!tpu.dma_semaphore, #tpu.memory_space<semaphore_mem>>
      %dma_start3A_66 = arith.constant 0 : i32
      %dma_start3A_67 = tpu.memref_slice %arg3[%mul3A_16, %dma_start3A_66] : memref<4000x80xi32, #tpu.memory_space<hbm>> -> memref<125x80xi32, #tpu.memory_space<hbm>>
      %dma_start3A_68 = arith.constant 0 : i32
      %dma_start3A_69 = tpu.memref_slice %arg3[%mul3A_16, %dma_start3A_68] : memref<4000x80xi32, #tpu.memory_space<hbm>> -> memref<125x80xi32, #tpu.memory_space<hbm>>
      tpu.enqueue_dma source(%dma_start3A_69 : memref<125x80xi32, #tpu.memory_space<hbm>>) target(%arg6 : memref<125x80xi32, #tpu.memory_space<vmem>>) target_semaphore(%run_scoped3A_65 : memref<!tpu.dma_semaphore, #tpu.memory_space<semaphore_mem>>)
      %dma_wait3A_70 = arith.constant 0 : i32
      %dma_wait3A_71 = tpu.memref_slice %arg3[%mul3A_16, %dma_wait3A_70] : memref<4000x80xi32, #tpu.memory_space<hbm>> -> memref<125x80xi32, #tpu.memory_space<hbm>>
      %dma_wait3A_72 = arith.constant 0 : i32
      %dma_wait3A_73 = tpu.memref_slice %arg3[%mul3A_16, %dma_wait3A_72] : memref<4000x80xi32, #tpu.memory_space<hbm>> -> memref<125x80xi32, #tpu.memory_space<hbm>>
      tpu.wait_dma2 semaphore(%run_scoped3A_65 : memref<!tpu.dma_semaphore, #tpu.memory_space<semaphore_mem>>) src(%dma_wait3A_73 : memref<125x80xi32, #tpu.memory_space<hbm>>) dst(%arg6 : memref<125x80xi32, #tpu.memory_space<vmem>>)
      tpu.yield
    }) : () -> ()
    %mul3A_17 = arith.constant 125 : i32
    %mul3A_18 = arith.muli %add3A, %mul3A_17 : i32
    "tpu.region"() ({
      %run_scoped3A_65 = tpu.sem_alloc : memref<!tpu.dma_semaphore, #tpu.memory_space<semaphore_mem>>
      %dma_start3A_66 = arith.constant 0 : i32
      %dma_start3A_67 = tpu.memref_slice %arg4[%mul3A_18, %dma_start3A_66] : memref<4000x80xi32, #tpu.memory_space<hbm>> -> memref<125x80xi32, #tpu.memory_space<hbm>>
      %dma_start3A_68 = arith.constant 0 : i32
      %dma_start3A_69 = tpu.memref_slice %arg4[%mul3A_18, %dma_start3A_68] : memref<4000x80xi32, #tpu.memory_space<hbm>> -> memref<125x80xi32, #tpu.memory_space<hbm>>
      tpu.enqueue_dma source(%dma_start3A_69 : memref<125x80xi32, #tpu.memory_space<hbm>>) target(%arg7 : memref<125x80xi32, #tpu.memory_space<vmem>>) target_semaphore(%run_scoped3A_65 : memref<!tpu.dma_semaphore, #tpu.memory_space<semaphore_mem>>)
      %dma_wait3A_70 = arith.constant 0 : i32
      %dma_wait3A_71 = tpu.memref_slice %arg4[%mul3A_18, %dma_wait3A_70] : memref<4000x80xi32, #tpu.memory_space<hbm>> -> memref<125x80xi32, #tpu.memory_space<hbm>>
      %dma_wait3A_72 = arith.constant 0 : i32
      %dma_wait3A_73 = tpu.memref_slice %arg4[%mul3A_18, %dma_wait3A_72] : memref<4000x80xi32, #tpu.memory_space<hbm>> -> memref<125x80xi32, #tpu.memory_space<hbm>>
      tpu.wait_dma2 semaphore(%run_scoped3A_65 : memref<!tpu.dma_semaphore, #tpu.memory_space<semaphore_mem>>) src(%dma_wait3A_73 : memref<125x80xi32, #tpu.memory_space<hbm>>) dst(%arg7 : memref<125x80xi32, #tpu.memory_space<vmem>>)
      tpu.yield
    }) : () -> ()
    %dma_start3A = arith.constant 0 : i32
    %dma_start3A_19 = arith.constant 0 : i32
    %dma_start3A_20 = tpu.memref_slice %arg6[%dma_start3A, %dma_start3A_19] : memref<125x80xi32, #tpu.memory_space<vmem>> -> memref<1x80xi32, #tpu.memory_space<vmem>>
    %dma_start3A_21 = tpu.memref_squeeze %dma_start3A_20 : memref<1x80xi32, #tpu.memory_space<vmem>> -> memref<80xi32, #tpu.memory_space<vmem>>
    %dma_start3A_22 = arith.constant 0 : i32
    %dma_start3A_23 = arith.constant 0 : i32
    %dma_start3A_24 = tpu.memref_slice %arg2[%dma_start3A_22, %dma_start3A_23] : memref<10000x128xf32, #tpu.memory_space<hbm>> -> memref<10000x128xf32, #tpu.memory_space<hbm>>
    tpu.enqueue_indirect_dma source(%dma_start3A_24 : memref<10000x128xf32, #tpu.memory_space<hbm>>) target(%arg8 : memref<80x128xf32, #tpu.memory_space<vmem>>) offsets(%dma_start3A_21 : memref<80xi32, #tpu.memory_space<vmem>>) semaphore(%arg13 : memref<!tpu.dma_semaphore, #tpu.memory_space<semaphore_mem>>)
    %dma_start3A_25 = arith.constant 1 : i32
    %dma_start3A_26 = arith.constant 0 : i32
    %dma_start3A_27 = tpu.memref_slice %arg6[%dma_start3A_25, %dma_start3A_26] : memref<125x80xi32, #tpu.memory_space<vmem>> -> memref<1x80xi32, #tpu.memory_space<vmem>>
    %dma_start3A_28 = tpu.memref_squeeze %dma_start3A_27 : memref<1x80xi32, #tpu.memory_space<vmem>> -> memref<80xi32, #tpu.memory_space<vmem>>
    %dma_start3A_29 = arith.constant 0 : i32
    %dma_start3A_30 = arith.constant 0 : i32
    %dma_start3A_31 = tpu.memref_slice %arg2[%dma_start3A_29, %dma_start3A_30] : memref<10000x128xf32, #tpu.memory_space<hbm>> -> memref<10000x128xf32, #tpu.memory_space<hbm>>
    tpu.enqueue_indirect_dma source(%dma_start3A_31 : memref<10000x128xf32, #tpu.memory_space<hbm>>) target(%arg9 : memref<80x128xf32, #tpu.memory_space<vmem>>) offsets(%dma_start3A_28 : memref<80xi32, #tpu.memory_space<vmem>>) semaphore(%arg14 : memref<!tpu.dma_semaphore, #tpu.memory_space<semaphore_mem>>)
    %scan3A_32 = arith.constant 0 : i32
    %scan3A_33 = arith.constant 0 : i32
    %scan3A_34 = arith.constant 25 : i32
    %scan3A_35 = arith.addi %scan3A_33, %scan3A_34 : i32
    %scan3A_36 = arith.constant 1 : i32
    %scan3A_37 = scf.for %scan3A_65 = %scan3A_33 to %scan3A_35 step %scan3A_36 iter_args(%scan3A_66 = %scan3A_32) -> (i32)  : i32 {
      %mul3A_67 = arith.constant 625 : i32
      %mul3A_68 = arith.muli %arg1, %mul3A_67 : i32
      %mul3A_69 = arith.constant 25 : i32
      %mul3A_70 = arith.muli %scan3A_65, %mul3A_69 : i32
      %add3A_71 = arith.addi %mul3A_68, %mul3A_70 : i32
      %dma_wait3A_72 = arith.constant 0 : i32
      %dma_wait3A_73 = arith.constant 0 : i32
      %dma_wait3A_74 = tpu.memref_slice %arg10[%dma_wait3A_72, %dma_wait3A_73] : memref<80x128xf32, #tpu.memory_space<vmem>> -> memref<25x128xf32, #tpu.memory_space<vmem>>
      %dma_wait3A_75 = arith.constant 0 : i32
      %dma_wait3A_76 = tpu.memref_slice %arg11[%add3A_71, %dma_wait3A_75] : memref<10000x128xf32, #tpu.memory_space<vmem_shared>> -> memref<25x128xf32, #tpu.memory_space<vmem_shared>>
      %dma_wait3A_77 = arith.constant 0 : i32
      %dma_wait3A_78 = tpu.memref_slice %arg11[%add3A_71, %dma_wait3A_77] : memref<10000x128xf32, #tpu.memory_space<vmem_shared>> -> memref<25x128xf32, #tpu.memory_space<vmem_shared>>
      %dma_wait3A_79 = arith.constant 0 : i32
      %dma_wait3A_80 = arith.constant 0 : i32
      %dma_wait3A_81 = tpu.memref_slice %arg10[%dma_wait3A_79, %dma_wait3A_80] : memref<80x128xf32, #tpu.memory_space<vmem>> -> memref<25x128xf32, #tpu.memory_space<vmem>>
      tpu.wait_dma2 semaphore(%arg12 : memref<!tpu.dma_semaphore, #tpu.memory_space<semaphore_mem>>) src(%dma_wait3A_81 : memref<25x128xf32, #tpu.memory_space<vmem>>) dst(%dma_wait3A_78 : memref<25x128xf32, #tpu.memory_space<vmem_shared>>)
      %scan3A_82 = arith.constant 0 : i32
      scf.yield %scan3A_82 : i32
    }
    %scan3A_38 = arith.constant 25 : i32
    %barrier3A = arith.constant 0 : index
    tpu.barrier barrier_id(%barrier3A)
    %scan3A_39 = arith.constant 0 : i32
    %scan3A_40 = arith.constant 0 : i32
    %scan3A_41 = arith.constant 41 : i32
    %scan3A_42 = arith.addi %scan3A_40, %scan3A_41 : i32
    %scan3A_43 = arith.constant 1 : i32
    %scan3A_44 = scf.for %scan3A_65 = %scan3A_40 to %scan3A_42 step %scan3A_43 iter_args(%scan3A_66 = %scan3A_39) -> (i32)  : i32 {
      %mul3A_67 = arith.constant 3 : i32
      %mul3A_68 = arith.muli %scan3A_65, %mul3A_67 : i32
      %add3A_69 = arith.constant 0 : i32
      %add3A_70 = arith.addi %mul3A_68, %add3A_69 : i32
      %dma_wait3A_71 = arith.constant 0 : i32
      %dma_wait3A_72 = tpu.memref_slice %arg6[%add3A_70, %dma_wait3A_71] : memref<125x80xi32, #tpu.memory_space<vmem>> -> memref<1x80xi32, #tpu.memory_space<vmem>>
      %dma_wait3A_73 = tpu.memref_squeeze %dma_wait3A_72 : memref<1x80xi32, #tpu.memory_space<vmem>> -> memref<80xi32, #tpu.memory_space<vmem>>
      %dma_wait3A_74 = arith.constant 0 : i32
      %dma_wait3A_75 = arith.constant 0 : i32
      %dma_wait3A_76 = tpu.memref_slice %arg2[%dma_wait3A_74, %dma_wait3A_75] : memref<10000x128xf32, #tpu.memory_space<hbm>> -> memref<10000x128xf32, #tpu.memory_space<hbm>>
      tpu.wait_indirect_dma semaphore(%arg13 : memref<!tpu.dma_semaphore, #tpu.memory_space<semaphore_mem>>) src(%dma_wait3A_76 : memref<10000x128xf32, #tpu.memory_space<hbm>>) dst(%arg8 : memref<80x128xf32, #tpu.memory_space<vmem>>)
      %add3A_77 = arith.constant 0 : i32
      %add3A_78 = arith.addi %mul3A_68, %add3A_77 : i32
      %add3A_79 = arith.constant 2 : i32
      %add3A_80 = arith.addi %add3A_78, %add3A_79 : i32
      %lt3A = arith.constant 125 : i32
      %lt3A_81 = arith.cmpi slt, %add3A_80, %lt3A : i32
      %convert_element_type3A = arith.extui %lt3A_81 : i1 to i32
      %cond3A = arith.constant 0 : i32
      %cond3A_82 = arith.cmpi ne, %convert_element_type3A, %cond3A : i32
      scf.if %cond3A_82 {
        %add3A_124 = arith.constant 0 : i32
        %add3A_125 = arith.addi %mul3A_68, %add3A_124 : i32
        %add3A_126 = arith.constant 2 : i32
        %add3A_127 = arith.addi %add3A_125, %add3A_126 : i32
        %dma_start3A_128 = arith.constant 0 : i32
        %dma_start3A_129 = tpu.memref_slice %arg6[%add3A_127, %dma_start3A_128] : memref<125x80xi32, #tpu.memory_space<vmem>> -> memref<1x80xi32, #tpu.memory_space<vmem>>
        %dma_start3A_130 = tpu.memref_squeeze %dma_start3A_129 : memref<1x80xi32, #tpu.memory_space<vmem>> -> memref<80xi32, #tpu.memory_space<vmem>>
        %dma_start3A_131 = arith.constant 0 : i32
        %dma_start3A_132 = arith.constant 0 : i32
        %dma_start3A_133 = tpu.memref_slice %arg2[%dma_start3A_131, %dma_start3A_132] : memref<10000x128xf32, #tpu.memory_space<hbm>> -> memref<10000x128xf32, #tpu.memory_space<hbm>>
        tpu.enqueue_indirect_dma source(%dma_start3A_133 : memref<10000x128xf32, #tpu.memory_space<hbm>>) target(%arg10 : memref<80x128xf32, #tpu.memory_space<vmem>>) offsets(%dma_start3A_130 : memref<80xi32, #tpu.memory_space<vmem>>) semaphore(%arg15 : memref<!tpu.dma_semaphore, #tpu.memory_space<semaphore_mem>>)
      } else {
      }
      %add3A_83 = arith.constant 0 : i32
      %add3A_84 = arith.addi %mul3A_68, %add3A_83 : i32
      "tpu.region"() ({
        %run_scoped3A_124 = tpu.sem_alloc : memref<!tpu.dma_semaphore, #tpu.memory_space<semaphore_mem>>
        %dma_start3A_125 = arith.constant 0 : i32
        %dma_start3A_126 = tpu.memref_slice %arg7[%add3A_84, %dma_start3A_125] : memref<125x80xi32, #tpu.memory_space<vmem>> -> memref<1x80xi32, #tpu.memory_space<vmem>>
        %dma_start3A_127 = tpu.memref_squeeze %dma_start3A_126 : memref<1x80xi32, #tpu.memory_space<vmem>> -> memref<80xi32, #tpu.memory_space<vmem>>
        %dma_start3A_128 = arith.constant 0 : i32
        %dma_start3A_129 = arith.constant 0 : i32
        %dma_start3A_130 = tpu.memref_slice %arg11[%dma_start3A_128, %dma_start3A_129] : memref<10000x128xf32, #tpu.memory_space<vmem_shared>> -> memref<10000x128xf32, #tpu.memory_space<vmem_shared>>
        tpu.enqueue_indirect_dma source(%arg8 : memref<80x128xf32, #tpu.memory_space<vmem>>) target(%dma_start3A_130 : memref<10000x128xf32, #tpu.memory_space<vmem_shared>>) offsets(%dma_start3A_127 : memref<80xi32, #tpu.memory_space<vmem>>) semaphore(%run_scoped3A_124 : memref<!tpu.dma_semaphore, #tpu.memory_space<semaphore_mem>>) {add = true}
        %dma_wait3A_131 = arith.constant 0 : i32
        %dma_wait3A_132 = tpu.memref_slice %arg7[%add3A_84, %dma_wait3A_131] : memref<125x80xi32, #tpu.memory_space<vmem>> -> memref<1x80xi32, #tpu.memory_space<vmem>>
        %dma_wait3A_133 = tpu.memref_squeeze %dma_wait3A_132 : memref<1x80xi32, #tpu.memory_space<vmem>> -> memref<80xi32, #tpu.memory_space<vmem>>
        %dma_wait3A_134 = arith.constant 0 : i32
        %dma_wait3A_135 = arith.constant 0 : i32
        %dma_wait3A_136 = tpu.memref_slice %arg11[%dma_wait3A_134, %dma_wait3A_135] : memref<10000x128xf32, #tpu.memory_space<vmem_shared>> -> memref<10000x128xf32, #tpu.memory_space<vmem_shared>>
        tpu.wait_indirect_dma semaphore(%run_scoped3A_124 : memref<!tpu.dma_semaphore, #tpu.memory_space<semaphore_mem>>) src(%arg8 : memref<80x128xf32, #tpu.memory_space<vmem>>) dst(%dma_wait3A_136 : memref<10000x128xf32, #tpu.memory_space<vmem_shared>>)
        tpu.yield
      }) : () -> ()
      %add3A_85 = arith.constant 1 : i32
      %add3A_86 = arith.addi %mul3A_68, %add3A_85 : i32
      %dma_wait3A_87 = arith.constant 0 : i32
      %dma_wait3A_88 = tpu.memref_slice %arg6[%add3A_86, %dma_wait3A_87] : memref<125x80xi32, #tpu.memory_space<vmem>> -> memref<1x80xi32, #tpu.memory_space<vmem>>
      %dma_wait3A_89 = tpu.memref_squeeze %dma_wait3A_88 : memref<1x80xi32, #tpu.memory_space<vmem>> -> memref<80xi32, #tpu.memory_space<vmem>>
      %dma_wait3A_90 = arith.constant 0 : i32
      %dma_wait3A_91 = arith.constant 0 : i32
      %dma_wait3A_92 = tpu.memref_slice %arg2[%dma_wait3A_90, %dma_wait3A_91] : memref<10000x128xf32, #tpu.memory_space<hbm>> -> memref<10000x128xf32, #tpu.memory_space<hbm>>
      tpu.wait_indirect_dma semaphore(%arg14 : memref<!tpu.dma_semaphore, #tpu.memory_space<semaphore_mem>>) src(%dma_wait3A_92 : memref<10000x128xf32, #tpu.memory_space<hbm>>) dst(%arg9 : memref<80x128xf32, #tpu.memory_space<vmem>>)
      %add3A_93 = arith.constant 1 : i32
      %add3A_94 = arith.addi %mul3A_68, %add3A_93 : i32
      %add3A_95 = arith.constant 2 : i32
      %add3A_96 = arith.addi %add3A_94, %add3A_95 : i32
      %lt3A_97 = arith.constant 125 : i32
      %lt3A_98 = arith.cmpi slt, %add3A_96, %lt3A_97 : i32
      %convert_element_type3A_99 = arith.extui %lt3A_98 : i1 to i32
      %cond3A_100 = arith.constant 0 : i32
      %cond3A_101 = arith.cmpi ne, %convert_element_type3A_99, %cond3A_100 : i32
      scf.if %cond3A_101 {
        %add3A_124 = arith.constant 1 : i32
        %add3A_125 = arith.addi %mul3A_68, %add3A_124 : i32
        %add3A_126 = arith.constant 2 : i32
        %add3A_127 = arith.addi %add3A_125, %add3A_126 : i32
        %dma_start3A_128 = arith.constant 0 : i32
        %dma_start3A_129 = tpu.memref_slice %arg6[%add3A_127, %dma_start3A_128] : memref<125x80xi32, #tpu.memory_space<vmem>> -> memref<1x80xi32, #tpu.memory_space<vmem>>
        %dma_start3A_130 = tpu.memref_squeeze %dma_start3A_129 : memref<1x80xi32, #tpu.memory_space<vmem>> -> memref<80xi32, #tpu.memory_space<vmem>>
        %dma_start3A_131 = arith.constant 0 : i32
        %dma_start3A_132 = arith.constant 0 : i32
        %dma_start3A_133 = tpu.memref_slice %arg2[%dma_start3A_131, %dma_start3A_132] : memref<10000x128xf32, #tpu.memory_space<hbm>> -> memref<10000x128xf32, #tpu.memory_space<hbm>>
        tpu.enqueue_indirect_dma source(%dma_start3A_133 : memref<10000x128xf32, #tpu.memory_space<hbm>>) target(%arg8 : memref<80x128xf32, #tpu.memory_space<vmem>>) offsets(%dma_start3A_130 : memref<80xi32, #tpu.memory_space<vmem>>) semaphore(%arg13 : memref<!tpu.dma_semaphore, #tpu.memory_space<semaphore_mem>>)
      } else {
      }
      %add3A_102 = arith.constant 1 : i32
      %add3A_103 = arith.addi %mul3A_68, %add3A_102 : i32
      "tpu.region"() ({
        %run_scoped3A_124 = tpu.sem_alloc : memref<!tpu.dma_semaphore, #tpu.memory_space<semaphore_mem>>
        %dma_start3A_125 = arith.constant 0 : i32
        %dma_start3A_126 = tpu.memref_slice %arg7[%add3A_103, %dma_start3A_125] : memref<125x80xi32, #tpu.memory_space<vmem>> -> memref<1x80xi32, #tpu.memory_space<vmem>>
        %dma_start3A_127 = tpu.memref_squeeze %dma_start3A_126 : memref<1x80xi32, #tpu.memory_space<vmem>> -> memref<80xi32, #tpu.memory_space<vmem>>
        %dma_start3A_128 = arith.constant 0 : i32
        %dma_start3A_129 = arith.constant 0 : i32
        %dma_start3A_130 = tpu.memref_slice %arg11[%dma_start3A_128, %dma_start3A_129] : memref<10000x128xf32, #tpu.memory_space<vmem_shared>> -> memref<10000x128xf32, #tpu.memory_space<vmem_shared>>
        tpu.enqueue_indirect_dma source(%arg9 : memref<80x128xf32, #tpu.memory_space<vmem>>) target(%dma_start3A_130 : memref<10000x128xf32, #tpu.memory_space<vmem_shared>>) offsets(%dma_start3A_127 : memref<80xi32, #tpu.memory_space<vmem>>) semaphore(%run_scoped3A_124 : memref<!tpu.dma_semaphore, #tpu.memory_space<semaphore_mem>>) {add = true}
        %dma_wait3A_131 = arith.constant 0 : i32
        %dma_wait3A_132 = tpu.memref_slice %arg7[%add3A_103, %dma_wait3A_131] : memref<125x80xi32, #tpu.memory_space<vmem>> -> memref<1x80xi32, #tpu.memory_space<vmem>>
        %dma_wait3A_133 = tpu.memref_squeeze %dma_wait3A_132 : memref<1x80xi32, #tpu.memory_space<vmem>> -> memref<80xi32, #tpu.memory_space<vmem>>
        %dma_wait3A_134 = arith.constant 0 : i32
        %dma_wait3A_135 = arith.constant 0 : i32
        %dma_wait3A_136 = tpu.memref_slice %arg11[%dma_wait3A_134, %dma_wait3A_135] : memref<10000x128xf32, #tpu.memory_space<vmem_shared>> -> memref<10000x128xf32, #tpu.memory_space<vmem_shared>>
        tpu.wait_indirect_dma semaphore(%run_scoped3A_124 : memref<!tpu.dma_semaphore, #tpu.memory_space<semaphore_mem>>) src(%arg9 : memref<80x128xf32, #tpu.memory_space<vmem>>) dst(%dma_wait3A_136 : memref<10000x128xf32, #tpu.memory_space<vmem_shared>>)
        tpu.yield
      }) : () -> ()
      %add3A_104 = arith.constant 2 : i32
      %add3A_105 = arith.addi %mul3A_68, %add3A_104 : i32
      %dma_wait3A_106 = arith.constant 0 : i32
      %dma_wait3A_107 = tpu.memref_slice %arg6[%add3A_105, %dma_wait3A_106] : memref<125x80xi32, #tpu.memory_space<vmem>> -> memref<1x80xi32, #tpu.memory_space<vmem>>
      %dma_wait3A_108 = tpu.memref_squeeze %dma_wait3A_107 : memref<1x80xi32, #tpu.memory_space<vmem>> -> memref<80xi32, #tpu.memory_space<vmem>>
      %dma_wait3A_109 = arith.constant 0 : i32
      %dma_wait3A_110 = arith.constant 0 : i32
      %dma_wait3A_111 = tpu.memref_slice %arg2[%dma_wait3A_109, %dma_wait3A_110] : memref<10000x128xf32, #tpu.memory_space<hbm>> -> memref<10000x128xf32, #tpu.memory_space<hbm>>
      tpu.wait_indirect_dma semaphore(%arg15 : memref<!tpu.dma_semaphore, #tpu.memory_space<semaphore_mem>>) src(%dma_wait3A_111 : memref<10000x128xf32, #tpu.memory_space<hbm>>) dst(%arg10 : memref<80x128xf32, #tpu.memory_space<vmem>>)
      %add3A_112 = arith.constant 2 : i32
      %add3A_113 = arith.addi %mul3A_68, %add3A_112 : i32
      %add3A_114 = arith.constant 2 : i32
      %add3A_115 = arith.addi %add3A_113, %add3A_114 : i32
      %lt3A_116 = arith.constant 125 : i32
      %lt3A_117 = arith.cmpi slt, %add3A_115, %lt3A_116 : i32
      %convert_element_type3A_118 = arith.extui %lt3A_117 : i1 to i32
      %cond3A_119 = arith.constant 0 : i32
      %cond3A_120 = arith.cmpi ne, %convert_element_type3A_118, %cond3A_119 : i32
      scf.if %cond3A_120 {
        %add3A_124 = arith.constant 2 : i32
        %add3A_125 = arith.addi %mul3A_68, %add3A_124 : i32
        %add3A_126 = arith.constant 2 : i32
        %add3A_127 = arith.addi %add3A_125, %add3A_126 : i32
        %dma_start3A_128 = arith.constant 0 : i32
        %dma_start3A_129 = tpu.memref_slice %arg6[%add3A_127, %dma_start3A_128] : memref<125x80xi32, #tpu.memory_space<vmem>> -> memref<1x80xi32, #tpu.memory_space<vmem>>
        %dma_start3A_130 = tpu.memref_squeeze %dma_start3A_129 : memref<1x80xi32, #tpu.memory_space<vmem>> -> memref<80xi32, #tpu.memory_space<vmem>>
        %dma_start3A_131 = arith.constant 0 : i32
        %dma_start3A_132 = arith.constant 0 : i32
        %dma_start3A_133 = tpu.memref_slice %arg2[%dma_start3A_131, %dma_start3A_132] : memref<10000x128xf32, #tpu.memory_space<hbm>> -> memref<10000x128xf32, #tpu.memory_space<hbm>>
        tpu.enqueue_indirect_dma source(%dma_start3A_133 : memref<10000x128xf32, #tpu.memory_space<hbm>>) target(%arg9 : memref<80x128xf32, #tpu.memory_space<vmem>>) offsets(%dma_start3A_130 : memref<80xi32, #tpu.memory_space<vmem>>) semaphore(%arg14 : memref<!tpu.dma_semaphore, #tpu.memory_space<semaphore_mem>>)
      } else {
      }
      %add3A_121 = arith.constant 2 : i32
      %add3A_122 = arith.addi %mul3A_68, %add3A_121 : i32
      "tpu.region"() ({
        %run_scoped3A_124 = tpu.sem_alloc : memref<!tpu.dma_semaphore, #tpu.memory_space<semaphore_mem>>
        %dma_start3A_125 = arith.constant 0 : i32
        %dma_start3A_126 = tpu.memref_slice %arg7[%add3A_122, %dma_start3A_125] : memref<125x80xi32, #tpu.memory_space<vmem>> -> memref<1x80xi32, #tpu.memory_space<vmem>>
        %dma_start3A_127 = tpu.memref_squeeze %dma_start3A_126 : memref<1x80xi32, #tpu.memory_space<vmem>> -> memref<80xi32, #tpu.memory_space<vmem>>
        %dma_start3A_128 = arith.constant 0 : i32
        %dma_start3A_129 = arith.constant 0 : i32
        %dma_start3A_130 = tpu.memref_slice %arg11[%dma_start3A_128, %dma_start3A_129] : memref<10000x128xf32, #tpu.memory_space<vmem_shared>> -> memref<10000x128xf32, #tpu.memory_space<vmem_shared>>
        tpu.enqueue_indirect_dma source(%arg10 : memref<80x128xf32, #tpu.memory_space<vmem>>) target(%dma_start3A_130 : memref<10000x128xf32, #tpu.memory_space<vmem_shared>>) offsets(%dma_start3A_127 : memref<80xi32, #tpu.memory_space<vmem>>) semaphore(%run_scoped3A_124 : memref<!tpu.dma_semaphore, #tpu.memory_space<semaphore_mem>>) {add = true}
        %dma_wait3A_131 = arith.constant 0 : i32
        %dma_wait3A_132 = tpu.memref_slice %arg7[%add3A_122, %dma_wait3A_131] : memref<125x80xi32, #tpu.memory_space<vmem>> -> memref<1x80xi32, #tpu.memory_space<vmem>>
        %dma_wait3A_133 = tpu.memref_squeeze %dma_wait3A_132 : memref<1x80xi32, #tpu.memory_space<vmem>> -> memref<80xi32, #tpu.memory_space<vmem>>
        %dma_wait3A_134 = arith.constant 0 : i32
        %dma_wait3A_135 = arith.constant 0 : i32
        %dma_wait3A_136 = tpu.memref_slice %arg11[%dma_wait3A_134, %dma_wait3A_135] : memref<10000x128xf32, #tpu.memory_space<vmem_shared>> -> memref<10000x128xf32, #tpu.memory_space<vmem_shared>>
        tpu.wait_indirect_dma semaphore(%run_scoped3A_124 : memref<!tpu.dma_semaphore, #tpu.memory_space<semaphore_mem>>) src(%arg10 : memref<80x128xf32, #tpu.memory_space<vmem>>) dst(%dma_wait3A_136 : memref<10000x128xf32, #tpu.memory_space<vmem_shared>>)
        tpu.yield
      }) : () -> ()
      %scan3A_123 = arith.constant 0 : i32
      scf.yield %scan3A_123 : i32
    }
    %scan3A_45 = arith.constant 41 : i32
    %dma_wait3A = arith.constant 123 : i32
    %dma_wait3A_46 = arith.constant 0 : i32
    %dma_wait3A_47 = tpu.memref_slice %arg6[%dma_wait3A, %dma_wait3A_46] : memref<125x80xi32, #tpu.memory_space<vmem>> -> memref<1x80xi32, #tpu.memory_space<vmem>>
    %dma_wait3A_48 = tpu.memref_squeeze %dma_wait3A_47 : memref<1x80xi32, #tpu.memory_space<vmem>> -> memref<80xi32, #tpu.memory_space<vmem>>
    %dma_wait3A_49 = arith.constant 0 : i32
    %dma_wait3A_50 = arith.constant 0 : i32
    %dma_wait3A_51 = tpu.memref_slice %arg2[%dma_wait3A_49, %dma_wait3A_50] : memref<10000x128xf32, #tpu.memory_space<hbm>> -> memref<10000x128xf32, #tpu.memory_space<hbm>>
    tpu.wait_indirect_dma semaphore(%arg13 : memref<!tpu.dma_semaphore, #tpu.memory_space<semaphore_mem>>) src(%dma_wait3A_51 : memref<10000x128xf32, #tpu.memory_space<hbm>>) dst(%arg8 : memref<80x128xf32, #tpu.memory_space<vmem>>)
    %run_scoped3A = arith.constant 123 : i32
    "tpu.region"() ({
      %run_scoped3A_65 = tpu.sem_alloc : memref<!tpu.dma_semaphore, #tpu.memory_space<semaphore_mem>>
      %dma_start3A_66 = arith.constant 0 : i32
      %dma_start3A_67 = tpu.memref_slice %arg7[%run_scoped3A, %dma_start3A_66] : memref<125x80xi32, #tpu.memory_space<vmem>> -> memref<1x80xi32, #tpu.memory_space<vmem>>
      %dma_start3A_68 = tpu.memref_squeeze %dma_start3A_67 : memref<1x80xi32, #tpu.memory_space<vmem>> -> memref<80xi32, #tpu.memory_space<vmem>>
      %dma_start3A_69 = arith.constant 0 : i32
      %dma_start3A_70 = arith.constant 0 : i32
      %dma_start3A_71 = tpu.memref_slice %arg11[%dma_start3A_69, %dma_start3A_70] : memref<10000x128xf32, #tpu.memory_space<vmem_shared>> -> memref<10000x128xf32, #tpu.memory_space<vmem_shared>>
      tpu.enqueue_indirect_dma source(%arg8 : memref<80x128xf32, #tpu.memory_space<vmem>>) target(%dma_start3A_71 : memref<10000x128xf32, #tpu.memory_space<vmem_shared>>) offsets(%dma_start3A_68 : memref<80xi32, #tpu.memory_space<vmem>>) semaphore(%run_scoped3A_65 : memref<!tpu.dma_semaphore, #tpu.memory_space<semaphore_mem>>) {add = true}
      %dma_wait3A_72 = arith.constant 0 : i32
      %dma_wait3A_73 = tpu.memref_slice %arg7[%run_scoped3A, %dma_wait3A_72] : memref<125x80xi32, #tpu.memory_space<vmem>> -> memref<1x80xi32, #tpu.memory_space<vmem>>
      %dma_wait3A_74 = tpu.memref_squeeze %dma_wait3A_73 : memref<1x80xi32, #tpu.memory_space<vmem>> -> memref<80xi32, #tpu.memory_space<vmem>>
      %dma_wait3A_75 = arith.constant 0 : i32
      %dma_wait3A_76 = arith.constant 0 : i32
      %dma_wait3A_77 = tpu.memref_slice %arg11[%dma_wait3A_75, %dma_wait3A_76] : memref<10000x128xf32, #tpu.memory_space<vmem_shared>> -> memref<10000x128xf32, #tpu.memory_space<vmem_shared>>
      tpu.wait_indirect_dma semaphore(%run_scoped3A_65 : memref<!tpu.dma_semaphore, #tpu.memory_space<semaphore_mem>>) src(%arg8 : memref<80x128xf32, #tpu.memory_space<vmem>>) dst(%dma_wait3A_77 : memref<10000x128xf32, #tpu.memory_space<vmem_shared>>)
      tpu.yield
    }) : () -> ()
    %dma_wait3A_52 = arith.constant 124 : i32
    %dma_wait3A_53 = arith.constant 0 : i32
    %dma_wait3A_54 = tpu.memref_slice %arg6[%dma_wait3A_52, %dma_wait3A_53] : memref<125x80xi32, #tpu.memory_space<vmem>> -> memref<1x80xi32, #tpu.memory_space<vmem>>
    %dma_wait3A_55 = tpu.memref_squeeze %dma_wait3A_54 : memref<1x80xi32, #tpu.memory_space<vmem>> -> memref<80xi32, #tpu.memory_space<vmem>>
    %dma_wait3A_56 = arith.constant 0 : i32
    %dma_wait3A_57 = arith.constant 0 : i32
    %dma_wait3A_58 = tpu.memref_slice %arg2[%dma_wait3A_56, %dma_wait3A_57] : memref<10000x128xf32, #tpu.memory_space<hbm>> -> memref<10000x128xf32, #tpu.memory_space<hbm>>
    tpu.wait_indirect_dma semaphore(%arg14 : memref<!tpu.dma_semaphore, #tpu.memory_space<semaphore_mem>>) src(%dma_wait3A_58 : memref<10000x128xf32, #tpu.memory_space<hbm>>) dst(%arg9 : memref<80x128xf32, #tpu.memory_space<vmem>>)
    %run_scoped3A_59 = arith.constant 124 : i32
    "tpu.region"() ({
      %run_scoped3A_65 = tpu.sem_alloc : memref<!tpu.dma_semaphore, #tpu.memory_space<semaphore_mem>>
      %dma_start3A_66 = arith.constant 0 : i32
      %dma_start3A_67 = tpu.memref_slice %arg7[%run_scoped3A_59, %dma_start3A_66] : memref<125x80xi32, #tpu.memory_space<vmem>> -> memref<1x80xi32, #tpu.memory_space<vmem>>
      %dma_start3A_68 = tpu.memref_squeeze %dma_start3A_67 : memref<1x80xi32, #tpu.memory_space<vmem>> -> memref<80xi32, #tpu.memory_space<vmem>>
      %dma_start3A_69 = arith.constant 0 : i32
      %dma_start3A_70 = arith.constant 0 : i32
      %dma_start3A_71 = tpu.memref_slice %arg11[%dma_start3A_69, %dma_start3A_70] : memref<10000x128xf32, #tpu.memory_space<vmem_shared>> -> memref<10000x128xf32, #tpu.memory_space<vmem_shared>>
      tpu.enqueue_indirect_dma source(%arg9 : memref<80x128xf32, #tpu.memory_space<vmem>>) target(%dma_start3A_71 : memref<10000x128xf32, #tpu.memory_space<vmem_shared>>) offsets(%dma_start3A_68 : memref<80xi32, #tpu.memory_space<vmem>>) semaphore(%run_scoped3A_65 : memref<!tpu.dma_semaphore, #tpu.memory_space<semaphore_mem>>) {add = true}
      %dma_wait3A_72 = arith.constant 0 : i32
      %dma_wait3A_73 = tpu.memref_slice %arg7[%run_scoped3A_59, %dma_wait3A_72] : memref<125x80xi32, #tpu.memory_space<vmem>> -> memref<1x80xi32, #tpu.memory_space<vmem>>
      %dma_wait3A_74 = tpu.memref_squeeze %dma_wait3A_73 : memref<1x80xi32, #tpu.memory_space<vmem>> -> memref<80xi32, #tpu.memory_space<vmem>>
      %dma_wait3A_75 = arith.constant 0 : i32
      %dma_wait3A_76 = arith.constant 0 : i32
      %dma_wait3A_77 = tpu.memref_slice %arg11[%dma_wait3A_75, %dma_wait3A_76] : memref<10000x128xf32, #tpu.memory_space<vmem_shared>> -> memref<10000x128xf32, #tpu.memory_space<vmem_shared>>
      tpu.wait_indirect_dma semaphore(%run_scoped3A_65 : memref<!tpu.dma_semaphore, #tpu.memory_space<semaphore_mem>>) src(%arg9 : memref<80x128xf32, #tpu.memory_space<vmem>>) dst(%dma_wait3A_77 : memref<10000x128xf32, #tpu.memory_space<vmem_shared>>)
      tpu.yield
    }) : () -> ()
    %barrier3A_60 = arith.constant 0 : index
    tpu.barrier barrier_id(%barrier3A_60)
    %mul3A_61 = arith.constant 625 : i32
    %mul3A_62 = arith.muli %arg1, %mul3A_61 : i32
    %mul3A_63 = arith.constant 625 : i32
    %mul3A_64 = arith.muli %arg1, %mul3A_63 : i32
    "tpu.region"() ({
      %run_scoped3A_65 = tpu.sem_alloc : memref<!tpu.dma_semaphore, #tpu.memory_space<semaphore_mem>>
      %dma_start3A_66 = arith.constant 0 : i32
      %dma_start3A_67 = tpu.memref_slice %arg5[%arg0, %mul3A_64, %dma_start3A_66] : memref<2x10000x128xf32, #tpu.memory_space<hbm>> -> memref<1x625x128xf32, #tpu.memory_space<hbm>>
      %dma_start3A_68 = tpu.memref_squeeze %dma_start3A_67 : memref<1x625x128xf32, #tpu.memory_space<hbm>> -> memref<625x128xf32, #tpu.memory_space<hbm>>
      %dma_start3A_69 = arith.constant 0 : i32
      %dma_start3A_70 = tpu.memref_slice %arg11[%mul3A_62, %dma_start3A_69] : memref<10000x128xf32, #tpu.memory_space<vmem_shared>> -> memref<625x128xf32, #tpu.memory_space<vmem_shared>>
      tpu.enqueue_dma source(%dma_start3A_70 : memref<625x128xf32, #tpu.memory_space<vmem_shared>>) target(%dma_start3A_68 : memref<625x128xf32, #tpu.memory_space<hbm>>) target_semaphore(%run_scoped3A_65 : memref<!tpu.dma_semaphore, #tpu.memory_space<semaphore_mem>>)
      %dma_wait3A_71 = arith.constant 0 : i32
      %dma_wait3A_72 = tpu.memref_slice %arg5[%arg0, %mul3A_64, %dma_wait3A_71] : memref<2x10000x128xf32, #tpu.memory_space<hbm>> -> memref<1x625x128xf32, #tpu.memory_space<hbm>>
      %dma_wait3A_73 = tpu.memref_squeeze %dma_wait3A_72 : memref<1x625x128xf32, #tpu.memory_space<hbm>> -> memref<625x128xf32, #tpu.memory_space<hbm>>
      %dma_wait3A_74 = arith.constant 0 : i32
      %dma_wait3A_75 = tpu.memref_slice %arg11[%mul3A_62, %dma_wait3A_74] : memref<10000x128xf32, #tpu.memory_space<vmem_shared>> -> memref<625x128xf32, #tpu.memory_space<vmem_shared>>
      tpu.wait_dma2 semaphore(%run_scoped3A_65 : memref<!tpu.dma_semaphore, #tpu.memory_space<semaphore_mem>>) src(%dma_wait3A_75 : memref<625x128xf32, #tpu.memory_space<vmem_shared>>) dst(%dma_wait3A_73 : memref<625x128xf32, #tpu.memory_space<hbm>>)
      tpu.yield
    }) : () -> ()
    return
  }
}

#map = affine_map<(d0, d1) -> (0, 0)>
#map1 = affine_map<(d0, d1) -> (0, 0, 0)>
module attributes {stable_mosaic.version = 14 : i64} {
  func.func @_spmm_body(%arg0: i32, %arg1: i32, %arg2: memref<10000x128xf32, #tpu.memory_space<hbm>>, %arg3: memref<4000x80xi32, #tpu.memory_space<hbm>>, %arg4: memref<4000x80xi32, #tpu.memory_space<hbm>>, %arg5: memref<2x10000x128xf32, #tpu.memory_space<hbm>>, %arg6: memref<125x80xi32, #tpu.memory_space<vmem>>, %arg7: memref<125x80xi32, #tpu.memory_space<vmem>>, %arg8: memref<80x128xf32, #tpu.memory_space<vmem>>, %arg9: memref<80x128xf32, #tpu.memory_space<vmem>>, %arg10: memref<80x128xf32, #tpu.memory_space<vmem>>, %arg11: memref<10000x128xf32, #tpu.memory_space<vmem_shared>>, %arg12: memref<!tpu.dma_semaphore, #tpu.memory_space<semaphore_mem>>, %arg13: memref<!tpu.dma_semaphore, #tpu.memory_space<semaphore_mem>>, %arg14: memref<!tpu.dma_semaphore, #tpu.memory_space<semaphore_mem>>, %arg15: memref<!tpu.dma_semaphore, #tpu.memory_space<semaphore_mem>>) attributes {dimension_semantics = [#tpu.dimension_semantics<core_parallel>, #tpu.dimension_semantics<subcore_parallel>], iteration_bounds = array<i64: 2, 16>, scalar_prefetch = 0 : i64, scratch_operands = 10 : i64, tpu.core_type = #tpu.core_type<sc_vector_subcore>, window_params = [{transform_indices = #map}, {transform_indices = #map}, {transform_indices = #map}, {transform_indices = #map1}]} {
    %mul3A = arith.constant 16 : i32
    %mul3A_0 = arith.muli %arg0, %mul3A : i32
    %add3A = arith.addi %mul3A_0, %arg1 : i32
    %broadcast_in_dim3A = arith.constant 0.000000e+00 : f32
    %broadcast_in_dim3A_1 = vector.broadcast %broadcast_in_dim3A : f32 to vector<16xf32>
    %scan3A = arith.constant 0 : i32
    %scan3A_2 = arith.constant 0 : i32
    %scan3A_3 = arith.constant 25 : i32
    %scan3A_4 = arith.addi %scan3A_2, %scan3A_3 : i32
    %scan3A_5 = arith.constant 1 : i32
    %scan3A_6 = scf.for %scan3A_65 = %scan3A_2 to %scan3A_4 step %scan3A_5 iter_args(%scan3A_66 = %scan3A) -> (i32)  : i32 {
      %swap3A = arith.index_cast %scan3A_65 : i32 to index
      %swap3A_67 = arith.constant 0 : index
      %swap3A_68 = tpu.vector_load %arg10[%swap3A, %swap3A_67] {strides = array<i32>} : memref<80x128xf32, #tpu.memory_space<vmem>>, vector<16xf32>,
      tpu.vector_store %arg10[%swap3A, %swap3A_67], %broadcast_in_dim3A_1 {strides = array<i32>} : memref<80x128xf32, #tpu.memory_space<vmem>>, vector<16xf32>,
      %swap3A_69 = arith.index_cast %scan3A_65 : i32 to index
      %swap3A_70 = arith.constant 16 : index
      %swap3A_71 = tpu.vector_load %arg10[%swap3A_69, %swap3A_70] {strides = array<i32>} : memref<80x128xf32, #tpu.memory_space<vmem>>, vector<16xf32>,
      tpu.vector_store %arg10[%swap3A_69, %swap3A_70], %broadcast_in_dim3A_1 {strides = array<i32>} : memref<80x128xf32, #tpu.memory_space<vmem>>, vector<16xf32>,
      %swap3A_72 = arith.index_cast %scan3A_65 : i32 to index
      %swap3A_73 = arith.constant 32 : index
      %swap3A_74 = tpu.vector_load %arg10[%swap3A_72, %swap3A_73] {strides = array<i32>} : memref<80x128xf32, #tpu.memory_space<vmem>>, vector<16xf32>,
      tpu.vector_store %arg10[%swap3A_72, %swap3A_73], %broadcast_in_dim3A_1 {strides = array<i32>} : memref<80x128xf32, #tpu.memory_space<vmem>>, vector<16xf32>,
      %swap3A_75 = arith.index_cast %scan3A_65 : i32 to index
      %swap3A_76 = arith.constant 48 : index
      %swap3A_77 = tpu.vector_load %arg10[%swap3A_75, %swap3A_76] {strides = array<i32>} : memref<80x128xf32, #tpu.memory_space<vmem>>, vector<16xf32>,
      tpu.vector_store %arg10[%swap3A_75, %swap3A_76], %broadcast_in_dim3A_1 {strides = array<i32>} : memref<80x128xf32, #tpu.memory_space<vmem>>, vector<16xf32>,
      %swap3A_78 = arith.index_cast %scan3A_65 : i32 to index
      %swap3A_79 = arith.constant 64 : index
      %swap3A_80 = tpu.vector_load %arg10[%swap3A_78, %swap3A_79] {strides = array<i32>} : memref<80x128xf32, #tpu.memory_space<vmem>>, vector<16xf32>,
      tpu.vector_store %arg10[%swap3A_78, %swap3A_79], %broadcast_in_dim3A_1 {strides = array<i32>} : memref<80x128xf32, #tpu.memory_space<vmem>>, vector<16xf32>,
      %swap3A_81 = arith.index_cast %scan3A_65 : i32 to index
      %swap3A_82 = arith.constant 80 : index
      %swap3A_83 = tpu.vector_load %arg10[%swap3A_81, %swap3A_82] {strides = array<i32>} : memref<80x128xf32, #tpu.memory_space<vmem>>, vector<16xf32>,
      tpu.vector_store %arg10[%swap3A_81, %swap3A_82], %broadcast_in_dim3A_1 {strides = array<i32>} : memref<80x128xf32, #tpu.memory_space<vmem>>, vector<16xf32>,
      %swap3A_84 = arith.index_cast %scan3A_65 : i32 to index
      %swap3A_85 = arith.constant 96 : index
      %swap3A_86 = tpu.vector_load %arg10[%swap3A_84, %swap3A_85] {strides = array<i32>} : memref<80x128xf32, #tpu.memory_space<vmem>>, vector<16xf32>,
      tpu.vector_store %arg10[%swap3A_84, %swap3A_85], %broadcast_in_dim3A_1 {strides = array<i32>} : memref<80x128xf32, #tpu.memory_space<vmem>>, vector<16xf32>,
      %swap3A_87 = arith.index_cast %scan3A_65 : i32 to index
      %swap3A_88 = arith.constant 112 : index
      %swap3A_89 = tpu.vector_load %arg10[%swap3A_87, %swap3A_88] {strides = array<i32>} : memref<80x128xf32, #tpu.memory_space<vmem>>, vector<16xf32>,
      tpu.vector_store %arg10[%swap3A_87, %swap3A_88], %broadcast_in_dim3A_1 {strides = array<i32>} : memref<80x128xf32, #tpu.memory_space<vmem>>, vector<16xf32>,
      %scan3A_90 = arith.constant 0 : i32
      scf.yield %scan3A_90 : i32
    }
    %scan3A_7 = arith.constant 25 : i32
    %scan3A_8 = arith.constant 0 : i32
    %scan3A_9 = arith.constant 0 : i32
    %scan3A_10 = arith.constant 25 : i32
    %scan3A_11 = arith.addi %scan3A_9, %scan3A_10 : i32
    %scan3A_12 = arith.constant 1 : i32
    %scan3A_13 = scf.for %scan3A_65 = %scan3A_9 to %scan3A_11 step %scan3A_12 iter_args(%scan3A_66 = %scan3A_8) -> (i32)  : i32 {
      %mul3A_67 = arith.constant 625 : i32
      %mul3A_68 = arith.muli %arg1, %mul3A_67 : i32
      %mul3A_69 = arith.constant 25 : i32
      %mul3A_70 = arith.muli %scan3A_65, %mul3A_69 : i32
      %add3A_71 = arith.addi %mul3A_68, %mul3A_70 : i32
      %dma_start3A_72 = arith.constant 0 : i32
      %dma_start3A_73 = arith.constant 0 : i32
      %dma_start3A_74 = tpu.memref_slice %arg10[%dma_start3A_72, %dma_start3A_73] : memref<80x128xf32, #tpu.memory_space<vmem>> -> memref<25x128xf32, #tpu.memory_space<vmem>>
      %dma_start3A_75 = arith.constant 0 : i32
      %dma_start3A_76 = tpu.memref_slice %arg11[%add3A_71, %dma_start3A_75] : memref<10000x128xf32, #tpu.memory_space<vmem_shared>> -> memref<25x128xf32, #tpu.memory_space<vmem_shared>>
      %dma_start3A_77 = arith.constant 0 : i32
      %dma_start3A_78 = tpu.memref_slice %arg11[%add3A_71, %dma_start3A_77] : memref<10000x128xf32, #tpu.memory_space<vmem_shared>> -> memref<25x128xf32, #tpu.memory_space<vmem_shared>>
      %dma_start3A_79 = arith.constant 0 : i32
      %dma_start3A_80 = arith.constant 0 : i32
      %dma_start3A_81 = tpu.memref_slice %arg10[%dma_start3A_79, %dma_start3A_80] : memref<80x128xf32, #tpu.memory_space<vmem>> -> memref<25x128xf32, #tpu.memory_space<vmem>>
      tpu.enqueue_dma source(%dma_start3A_81 : memref<25x128xf32, #tpu.memory_space<vmem>>) target(%dma_start3A_78 : memref<25x128xf32, #tpu.memory_space<vmem_shared>>) target_semaphore(%arg12 : memref<!tpu.dma_semaphore, #tpu.memory_space<semaphore_mem>>)
      %scan3A_82 = arith.constant 0 : i32
      scf.yield %scan3A_82 : i32
    }
    %scan3A_14 = arith.constant 25 : i32
    %mul3A_15 = arith.constant 125 : i32
    %mul3A_16 = arith.muli %add3A, %mul3A_15 : i32
    "tpu.region"() ({
      %run_scoped3A_65 = tpu.sem_alloc : memref<!tpu.dma_semaphore, #tpu.memory_space<semaphore_mem>>
      %dma_start3A_66 = arith.constant 0 : i32
      %dma_start3A_67 = tpu.memref_slice %arg3[%mul3A_16, %dma_start3A_66] : memref<4000x80xi32, #tpu.memory_space<hbm>> -> memref<125x80xi32, #tpu.memory_space<hbm>>
      %dma_start3A_68 = arith.constant 0 : i32
      %dma_start3A_69 = tpu.memref_slice %arg3[%mul3A_16, %dma_start3A_68] : memref<4000x80xi32, #tpu.memory_space<hbm>> -> memref<125x80xi32, #tpu.memory_space<hbm>>
      tpu.enqueue_dma source(%dma_start3A_69 : memref<125x80xi32, #tpu.memory_space<hbm>>) target(%arg6 : memref<125x80xi32, #tpu.memory_space<vmem>>) target_semaphore(%run_scoped3A_65 : memref<!tpu.dma_semaphore, #tpu.memory_space<semaphore_mem>>)
      %dma_wait3A_70 = arith.constant 0 : i32
      %dma_wait3A_71 = tpu.memref_slice %arg3[%mul3A_16, %dma_wait3A_70] : memref<4000x80xi32, #tpu.memory_space<hbm>> -> memref<125x80xi32, #tpu.memory_space<hbm>>
      %dma_wait3A_72 = arith.constant 0 : i32
      %dma_wait3A_73 = tpu.memref_slice %arg3[%mul3A_16, %dma_wait3A_72] : memref<4000x80xi32, #tpu.memory_space<hbm>> -> memref<125x80xi32, #tpu.memory_space<hbm>>
      tpu.wait_dma2 semaphore(%run_scoped3A_65 : memref<!tpu.dma_semaphore, #tpu.memory_space<semaphore_mem>>) src(%dma_wait3A_73 : memref<125x80xi32, #tpu.memory_space<hbm>>) dst(%arg6 : memref<125x80xi32, #tpu.memory_space<vmem>>)
      tpu.yield
    }) : () -> ()
    %mul3A_17 = arith.constant 125 : i32
    %mul3A_18 = arith.muli %add3A, %mul3A_17 : i32
    "tpu.region"() ({
      %run_scoped3A_65 = tpu.sem_alloc : memref<!tpu.dma_semaphore, #tpu.memory_space<semaphore_mem>>
      %dma_start3A_66 = arith.constant 0 : i32
      %dma_start3A_67 = tpu.memref_slice %arg4[%mul3A_18, %dma_start3A_66] : memref<4000x80xi32, #tpu.memory_space<hbm>> -> memref<125x80xi32, #tpu.memory_space<hbm>>
      %dma_start3A_68 = arith.constant 0 : i32
      %dma_start3A_69 = tpu.memref_slice %arg4[%mul3A_18, %dma_start3A_68] : memref<4000x80xi32, #tpu.memory_space<hbm>> -> memref<125x80xi32, #tpu.memory_space<hbm>>
      tpu.enqueue_dma source(%dma_start3A_69 : memref<125x80xi32, #tpu.memory_space<hbm>>) target(%arg7 : memref<125x80xi32, #tpu.memory_space<vmem>>) target_semaphore(%run_scoped3A_65 : memref<!tpu.dma_semaphore, #tpu.memory_space<semaphore_mem>>)
      %dma_wait3A_70 = arith.constant 0 : i32
      %dma_wait3A_71 = tpu.memref_slice %arg4[%mul3A_18, %dma_wait3A_70] : memref<4000x80xi32, #tpu.memory_space<hbm>> -> memref<125x80xi32, #tpu.memory_space<hbm>>
      %dma_wait3A_72 = arith.constant 0 : i32
      %dma_wait3A_73 = tpu.memref_slice %arg4[%mul3A_18, %dma_wait3A_72] : memref<4000x80xi32, #tpu.memory_space<hbm>> -> memref<125x80xi32, #tpu.memory_space<hbm>>
      tpu.wait_dma2 semaphore(%run_scoped3A_65 : memref<!tpu.dma_semaphore, #tpu.memory_space<semaphore_mem>>) src(%dma_wait3A_73 : memref<125x80xi32, #tpu.memory_space<hbm>>) dst(%arg7 : memref<125x80xi32, #tpu.memory_space<vmem>>)
      tpu.yield
    }) : () -> ()
    %dma_start3A = arith.constant 0 : i32
    %dma_start3A_19 = arith.constant 0 : i32
    %dma_start3A_20 = tpu.memref_slice %arg6[%dma_start3A, %dma_start3A_19] : memref<125x80xi32, #tpu.memory_space<vmem>> -> memref<1x80xi32, #tpu.memory_space<vmem>>
    %dma_start3A_21 = tpu.memref_squeeze %dma_start3A_20 : memref<1x80xi32, #tpu.memory_space<vmem>> -> memref<80xi32, #tpu.memory_space<vmem>>
    %dma_start3A_22 = arith.constant 0 : i32
    %dma_start3A_23 = arith.constant 0 : i32
    %dma_start3A_24 = tpu.memref_slice %arg2[%dma_start3A_22, %dma_start3A_23] : memref<10000x128xf32, #tpu.memory_space<hbm>> -> memref<10000x128xf32, #tpu.memory_space<hbm>>
    tpu.enqueue_indirect_dma source(%dma_start3A_24 : memref<10000x128xf32, #tpu.memory_space<hbm>>) target(%arg8 : memref<80x128xf32, #tpu.memory_space<vmem>>) offsets(%dma_start3A_21 : memref<80xi32, #tpu.memory_space<vmem>>) semaphore(%arg13 : memref<!tpu.dma_semaphore, #tpu.memory_space<semaphore_mem>>)
    %dma_start3A_25 = arith.constant 1 : i32
    %dma_start3A_26 = arith.constant 0 : i32
    %dma_start3A_27 = tpu.memref_slice %arg6[%dma_start3A_25, %dma_start3A_26] : memref<125x80xi32, #tpu.memory_space<vmem>> -> memref<1x80xi32, #tpu.memory_space<vmem>>
    %dma_start3A_28 = tpu.memref_squeeze %dma_start3A_27 : memref<1x80xi32, #tpu.memory_space<vmem>> -> memref<80xi32, #tpu.memory_space<vmem>>
    %dma_start3A_29 = arith.constant 0 : i32
    %dma_start3A_30 = arith.constant 0 : i32
    %dma_start3A_31 = tpu.memref_slice %arg2[%dma_start3A_29, %dma_start3A_30] : memref<10000x128xf32, #tpu.memory_space<hbm>> -> memref<10000x128xf32, #tpu.memory_space<hbm>>
    tpu.enqueue_indirect_dma source(%dma_start3A_31 : memref<10000x128xf32, #tpu.memory_space<hbm>>) target(%arg9 : memref<80x128xf32, #tpu.memory_space<vmem>>) offsets(%dma_start3A_28 : memref<80xi32, #tpu.memory_space<vmem>>) semaphore(%arg14 : memref<!tpu.dma_semaphore, #tpu.memory_space<semaphore_mem>>)
    %scan3A_32 = arith.constant 0 : i32
    %scan3A_33 = arith.constant 0 : i32
    %scan3A_34 = arith.constant 25 : i32
    %scan3A_35 = arith.addi %scan3A_33, %scan3A_34 : i32
    %scan3A_36 = arith.constant 1 : i32
    %scan3A_37 = scf.for %scan3A_65 = %scan3A_33 to %scan3A_35 step %scan3A_36 iter_args(%scan3A_66 = %scan3A_32) -> (i32)  : i32 {
      %mul3A_67 = arith.constant 625 : i32
      %mul3A_68 = arith.muli %arg1, %mul3A_67 : i32
      %mul3A_69 = arith.constant 25 : i32
      %mul3A_70 = arith.muli %scan3A_65, %mul3A_69 : i32
      %add3A_71 = arith.addi %mul3A_68, %mul3A_70 : i32
      %dma_wait3A_72 = arith.constant 0 : i32
      %dma_wait3A_73 = arith.constant 0 : i32
      %dma_wait3A_74 = tpu.memref_slice %arg10[%dma_wait3A_72, %dma_wait3A_73] : memref<80x128xf32, #tpu.memory_space<vmem>> -> memref<25x128xf32, #tpu.memory_space<vmem>>
      %dma_wait3A_75 = arith.constant 0 : i32
      %dma_wait3A_76 = tpu.memref_slice %arg11[%add3A_71, %dma_wait3A_75] : memref<10000x128xf32, #tpu.memory_space<vmem_shared>> -> memref<25x128xf32, #tpu.memory_space<vmem_shared>>
      %dma_wait3A_77 = arith.constant 0 : i32
      %dma_wait3A_78 = tpu.memref_slice %arg11[%add3A_71, %dma_wait3A_77] : memref<10000x128xf32, #tpu.memory_space<vmem_shared>> -> memref<25x128xf32, #tpu.memory_space<vmem_shared>>
      %dma_wait3A_79 = arith.constant 0 : i32
      %dma_wait3A_80 = arith.constant 0 : i32
      %dma_wait3A_81 = tpu.memref_slice %arg10[%dma_wait3A_79, %dma_wait3A_80] : memref<80x128xf32, #tpu.memory_space<vmem>> -> memref<25x128xf32, #tpu.memory_space<vmem>>
      tpu.wait_dma2 semaphore(%arg12 : memref<!tpu.dma_semaphore, #tpu.memory_space<semaphore_mem>>) src(%dma_wait3A_81 : memref<25x128xf32, #tpu.memory_space<vmem>>) dst(%dma_wait3A_78 : memref<25x128xf32, #tpu.memory_space<vmem_shared>>)
      %scan3A_82 = arith.constant 0 : i32
      scf.yield %scan3A_82 : i32
    }
    %scan3A_38 = arith.constant 25 : i32
    %barrier3A = arith.constant 0 : index
    tpu.barrier barrier_id(%barrier3A)
    %scan3A_39 = arith.constant 0 : i32
    %scan3A_40 = arith.constant 0 : i32
    %scan3A_41 = arith.constant 41 : i32
    %scan3A_42 = arith.addi %scan3A_40, %scan3A_41 : i32
    %scan3A_43 = arith.constant 1 : i32
    %scan3A_44 = scf.for %scan3A_65 = %scan3A_40 to %scan3A_42 step %scan3A_43 iter_args(%scan3A_66 = %scan3A_39) -> (i32)  : i32 {
      %mul3A_67 = arith.constant 3 : i32
      %mul3A_68 = arith.muli %scan3A_65, %mul3A_67 : i32
      %add3A_69 = arith.constant 0 : i32
      %add3A_70 = arith.addi %mul3A_68, %add3A_69 : i32
      %dma_wait3A_71 = arith.constant 0 : i32
      %dma_wait3A_72 = tpu.memref_slice %arg6[%add3A_70, %dma_wait3A_71] : memref<125x80xi32, #tpu.memory_space<vmem>> -> memref<1x80xi32, #tpu.memory_space<vmem>>
      %dma_wait3A_73 = tpu.memref_squeeze %dma_wait3A_72 : memref<1x80xi32, #tpu.memory_space<vmem>> -> memref<80xi32, #tpu.memory_space<vmem>>
      %dma_wait3A_74 = arith.constant 0 : i32
      %dma_wait3A_75 = arith.constant 0 : i32
      %dma_wait3A_76 = tpu.memref_slice %arg2[%dma_wait3A_74, %dma_wait3A_75] : memref<10000x128xf32, #tpu.memory_space<hbm>> -> memref<10000x128xf32, #tpu.memory_space<hbm>>
      tpu.wait_indirect_dma semaphore(%arg13 : memref<!tpu.dma_semaphore, #tpu.memory_space<semaphore_mem>>) src(%dma_wait3A_76 : memref<10000x128xf32, #tpu.memory_space<hbm>>) dst(%arg8 : memref<80x128xf32, #tpu.memory_space<vmem>>)
      %add3A_77 = arith.constant 0 : i32
      %add3A_78 = arith.addi %mul3A_68, %add3A_77 : i32
      %add3A_79 = arith.constant 2 : i32
      %add3A_80 = arith.addi %add3A_78, %add3A_79 : i32
      %lt3A = arith.constant 125 : i32
      %lt3A_81 = arith.cmpi slt, %add3A_80, %lt3A : i32
      %convert_element_type3A = arith.extui %lt3A_81 : i1 to i32
      %cond3A = arith.constant 0 : i32
      %cond3A_82 = arith.cmpi ne, %convert_element_type3A, %cond3A : i32
      scf.if %cond3A_82 {
        %add3A_124 = arith.constant 0 : i32
        %add3A_125 = arith.addi %mul3A_68, %add3A_124 : i32
        %add3A_126 = arith.constant 2 : i32
        %add3A_127 = arith.addi %add3A_125, %add3A_126 : i32
        %dma_start3A_128 = arith.constant 0 : i32
        %dma_start3A_129 = tpu.memref_slice %arg6[%add3A_127, %dma_start3A_128] : memref<125x80xi32, #tpu.memory_space<vmem>> -> memref<1x80xi32, #tpu.memory_space<vmem>>
        %dma_start3A_130 = tpu.memref_squeeze %dma_start3A_129 : memref<1x80xi32, #tpu.memory_space<vmem>> -> memref<80xi32, #tpu.memory_space<vmem>>
        %dma_start3A_131 = arith.constant 0 : i32
        %dma_start3A_132 = arith.constant 0 : i32
        %dma_start3A_133 = tpu.memref_slice %arg2[%dma_start3A_131, %dma_start3A_132] : memref<10000x128xf32, #tpu.memory_space<hbm>> -> memref<10000x128xf32, #tpu.memory_space<hbm>>
        tpu.enqueue_indirect_dma source(%dma_start3A_133 : memref<10000x128xf32, #tpu.memory_space<hbm>>) target(%arg10 : memref<80x128xf32, #tpu.memory_space<vmem>>) offsets(%dma_start3A_130 : memref<80xi32, #tpu.memory_space<vmem>>) semaphore(%arg15 : memref<!tpu.dma_semaphore, #tpu.memory_space<semaphore_mem>>)
      } else {
      }
      %add3A_83 = arith.constant 0 : i32
      %add3A_84 = arith.addi %mul3A_68, %add3A_83 : i32
      "tpu.region"() ({
        %run_scoped3A_124 = tpu.sem_alloc : memref<!tpu.dma_semaphore, #tpu.memory_space<semaphore_mem>>
        %dma_start3A_125 = arith.constant 0 : i32
        %dma_start3A_126 = tpu.memref_slice %arg7[%add3A_84, %dma_start3A_125] : memref<125x80xi32, #tpu.memory_space<vmem>> -> memref<1x80xi32, #tpu.memory_space<vmem>>
        %dma_start3A_127 = tpu.memref_squeeze %dma_start3A_126 : memref<1x80xi32, #tpu.memory_space<vmem>> -> memref<80xi32, #tpu.memory_space<vmem>>
        %dma_start3A_128 = arith.constant 0 : i32
        %dma_start3A_129 = arith.constant 0 : i32
        %dma_start3A_130 = tpu.memref_slice %arg11[%dma_start3A_128, %dma_start3A_129] : memref<10000x128xf32, #tpu.memory_space<vmem_shared>> -> memref<10000x128xf32, #tpu.memory_space<vmem_shared>>
        tpu.enqueue_indirect_dma source(%arg8 : memref<80x128xf32, #tpu.memory_space<vmem>>) target(%dma_start3A_130 : memref<10000x128xf32, #tpu.memory_space<vmem_shared>>) offsets(%dma_start3A_127 : memref<80xi32, #tpu.memory_space<vmem>>) semaphore(%run_scoped3A_124 : memref<!tpu.dma_semaphore, #tpu.memory_space<semaphore_mem>>) {add = true}
        %dma_wait3A_131 = arith.constant 0 : i32
        %dma_wait3A_132 = tpu.memref_slice %arg7[%add3A_84, %dma_wait3A_131] : memref<125x80xi32, #tpu.memory_space<vmem>> -> memref<1x80xi32, #tpu.memory_space<vmem>>
        %dma_wait3A_133 = tpu.memref_squeeze %dma_wait3A_132 : memref<1x80xi32, #tpu.memory_space<vmem>> -> memref<80xi32, #tpu.memory_space<vmem>>
        %dma_wait3A_134 = arith.constant 0 : i32
        %dma_wait3A_135 = arith.constant 0 : i32
        %dma_wait3A_136 = tpu.memref_slice %arg11[%dma_wait3A_134, %dma_wait3A_135] : memref<10000x128xf32, #tpu.memory_space<vmem_shared>> -> memref<10000x128xf32, #tpu.memory_space<vmem_shared>>
        tpu.wait_indirect_dma semaphore(%run_scoped3A_124 : memref<!tpu.dma_semaphore, #tpu.memory_space<semaphore_mem>>) src(%arg8 : memref<80x128xf32, #tpu.memory_space<vmem>>) dst(%dma_wait3A_136 : memref<10000x128xf32, #tpu.memory_space<vmem_shared>>)
        tpu.yield
      }) : () -> ()
      %add3A_85 = arith.constant 1 : i32
      %add3A_86 = arith.addi %mul3A_68, %add3A_85 : i32
      %dma_wait3A_87 = arith.constant 0 : i32
      %dma_wait3A_88 = tpu.memref_slice %arg6[%add3A_86, %dma_wait3A_87] : memref<125x80xi32, #tpu.memory_space<vmem>> -> memref<1x80xi32, #tpu.memory_space<vmem>>
      %dma_wait3A_89 = tpu.memref_squeeze %dma_wait3A_88 : memref<1x80xi32, #tpu.memory_space<vmem>> -> memref<80xi32, #tpu.memory_space<vmem>>
      %dma_wait3A_90 = arith.constant 0 : i32
      %dma_wait3A_91 = arith.constant 0 : i32
      %dma_wait3A_92 = tpu.memref_slice %arg2[%dma_wait3A_90, %dma_wait3A_91] : memref<10000x128xf32, #tpu.memory_space<hbm>> -> memref<10000x128xf32, #tpu.memory_space<hbm>>
      tpu.wait_indirect_dma semaphore(%arg14 : memref<!tpu.dma_semaphore, #tpu.memory_space<semaphore_mem>>) src(%dma_wait3A_92 : memref<10000x128xf32, #tpu.memory_space<hbm>>) dst(%arg9 : memref<80x128xf32, #tpu.memory_space<vmem>>)
      %add3A_93 = arith.constant 1 : i32
      %add3A_94 = arith.addi %mul3A_68, %add3A_93 : i32
      %add3A_95 = arith.constant 2 : i32
      %add3A_96 = arith.addi %add3A_94, %add3A_95 : i32
      %lt3A_97 = arith.constant 125 : i32
      %lt3A_98 = arith.cmpi slt, %add3A_96, %lt3A_97 : i32
      %convert_element_type3A_99 = arith.extui %lt3A_98 : i1 to i32
      %cond3A_100 = arith.constant 0 : i32
      %cond3A_101 = arith.cmpi ne, %convert_element_type3A_99, %cond3A_100 : i32
      scf.if %cond3A_101 {
        %add3A_124 = arith.constant 1 : i32
        %add3A_125 = arith.addi %mul3A_68, %add3A_124 : i32
        %add3A_126 = arith.constant 2 : i32
        %add3A_127 = arith.addi %add3A_125, %add3A_126 : i32
        %dma_start3A_128 = arith.constant 0 : i32
        %dma_start3A_129 = tpu.memref_slice %arg6[%add3A_127, %dma_start3A_128] : memref<125x80xi32, #tpu.memory_space<vmem>> -> memref<1x80xi32, #tpu.memory_space<vmem>>
        %dma_start3A_130 = tpu.memref_squeeze %dma_start3A_129 : memref<1x80xi32, #tpu.memory_space<vmem>> -> memref<80xi32, #tpu.memory_space<vmem>>
        %dma_start3A_131 = arith.constant 0 : i32
        %dma_start3A_132 = arith.constant 0 : i32
        %dma_start3A_133 = tpu.memref_slice %arg2[%dma_start3A_131, %dma_start3A_132] : memref<10000x128xf32, #tpu.memory_space<hbm>> -> memref<10000x128xf32, #tpu.memory_space<hbm>>
        tpu.enqueue_indirect_dma source(%dma_start3A_133 : memref<10000x128xf32, #tpu.memory_space<hbm>>) target(%arg8 : memref<80x128xf32, #tpu.memory_space<vmem>>) offsets(%dma_start3A_130 : memref<80xi32, #tpu.memory_space<vmem>>) semaphore(%arg13 : memref<!tpu.dma_semaphore, #tpu.memory_space<semaphore_mem>>)
      } else {
      }
      %add3A_102 = arith.constant 1 : i32
      %add3A_103 = arith.addi %mul3A_68, %add3A_102 : i32
      "tpu.region"() ({
        %run_scoped3A_124 = tpu.sem_alloc : memref<!tpu.dma_semaphore, #tpu.memory_space<semaphore_mem>>
        %dma_start3A_125 = arith.constant 0 : i32
        %dma_start3A_126 = tpu.memref_slice %arg7[%add3A_103, %dma_start3A_125] : memref<125x80xi32, #tpu.memory_space<vmem>> -> memref<1x80xi32, #tpu.memory_space<vmem>>
        %dma_start3A_127 = tpu.memref_squeeze %dma_start3A_126 : memref<1x80xi32, #tpu.memory_space<vmem>> -> memref<80xi32, #tpu.memory_space<vmem>>
        %dma_start3A_128 = arith.constant 0 : i32
        %dma_start3A_129 = arith.constant 0 : i32
        %dma_start3A_130 = tpu.memref_slice %arg11[%dma_start3A_128, %dma_start3A_129] : memref<10000x128xf32, #tpu.memory_space<vmem_shared>> -> memref<10000x128xf32, #tpu.memory_space<vmem_shared>>
        tpu.enqueue_indirect_dma source(%arg9 : memref<80x128xf32, #tpu.memory_space<vmem>>) target(%dma_start3A_130 : memref<10000x128xf32, #tpu.memory_space<vmem_shared>>) offsets(%dma_start3A_127 : memref<80xi32, #tpu.memory_space<vmem>>) semaphore(%run_scoped3A_124 : memref<!tpu.dma_semaphore, #tpu.memory_space<semaphore_mem>>) {add = true}
        %dma_wait3A_131 = arith.constant 0 : i32
        %dma_wait3A_132 = tpu.memref_slice %arg7[%add3A_103, %dma_wait3A_131] : memref<125x80xi32, #tpu.memory_space<vmem>> -> memref<1x80xi32, #tpu.memory_space<vmem>>
        %dma_wait3A_133 = tpu.memref_squeeze %dma_wait3A_132 : memref<1x80xi32, #tpu.memory_space<vmem>> -> memref<80xi32, #tpu.memory_space<vmem>>
        %dma_wait3A_134 = arith.constant 0 : i32
        %dma_wait3A_135 = arith.constant 0 : i32
        %dma_wait3A_136 = tpu.memref_slice %arg11[%dma_wait3A_134, %dma_wait3A_135] : memref<10000x128xf32, #tpu.memory_space<vmem_shared>> -> memref<10000x128xf32, #tpu.memory_space<vmem_shared>>
        tpu.wait_indirect_dma semaphore(%run_scoped3A_124 : memref<!tpu.dma_semaphore, #tpu.memory_space<semaphore_mem>>) src(%arg9 : memref<80x128xf32, #tpu.memory_space<vmem>>) dst(%dma_wait3A_136 : memref<10000x128xf32, #tpu.memory_space<vmem_shared>>)
        tpu.yield
      }) : () -> ()
      %add3A_104 = arith.constant 2 : i32
      %add3A_105 = arith.addi %mul3A_68, %add3A_104 : i32
      %dma_wait3A_106 = arith.constant 0 : i32
      %dma_wait3A_107 = tpu.memref_slice %arg6[%add3A_105, %dma_wait3A_106] : memref<125x80xi32, #tpu.memory_space<vmem>> -> memref<1x80xi32, #tpu.memory_space<vmem>>
      %dma_wait3A_108 = tpu.memref_squeeze %dma_wait3A_107 : memref<1x80xi32, #tpu.memory_space<vmem>> -> memref<80xi32, #tpu.memory_space<vmem>>
      %dma_wait3A_109 = arith.constant 0 : i32
      %dma_wait3A_110 = arith.constant 0 : i32
      %dma_wait3A_111 = tpu.memref_slice %arg2[%dma_wait3A_109, %dma_wait3A_110] : memref<10000x128xf32, #tpu.memory_space<hbm>> -> memref<10000x128xf32, #tpu.memory_space<hbm>>
      tpu.wait_indirect_dma semaphore(%arg15 : memref<!tpu.dma_semaphore, #tpu.memory_space<semaphore_mem>>) src(%dma_wait3A_111 : memref<10000x128xf32, #tpu.memory_space<hbm>>) dst(%arg10 : memref<80x128xf32, #tpu.memory_space<vmem>>)
      %add3A_112 = arith.constant 2 : i32
      %add3A_113 = arith.addi %mul3A_68, %add3A_112 : i32
      %add3A_114 = arith.constant 2 : i32
      %add3A_115 = arith.addi %add3A_113, %add3A_114 : i32
      %lt3A_116 = arith.constant 125 : i32
      %lt3A_117 = arith.cmpi slt, %add3A_115, %lt3A_116 : i32
      %convert_element_type3A_118 = arith.extui %lt3A_117 : i1 to i32
      %cond3A_119 = arith.constant 0 : i32
      %cond3A_120 = arith.cmpi ne, %convert_element_type3A_118, %cond3A_119 : i32
      scf.if %cond3A_120 {
        %add3A_124 = arith.constant 2 : i32
        %add3A_125 = arith.addi %mul3A_68, %add3A_124 : i32
        %add3A_126 = arith.constant 2 : i32
        %add3A_127 = arith.addi %add3A_125, %add3A_126 : i32
        %dma_start3A_128 = arith.constant 0 : i32
        %dma_start3A_129 = tpu.memref_slice %arg6[%add3A_127, %dma_start3A_128] : memref<125x80xi32, #tpu.memory_space<vmem>> -> memref<1x80xi32, #tpu.memory_space<vmem>>
        %dma_start3A_130 = tpu.memref_squeeze %dma_start3A_129 : memref<1x80xi32, #tpu.memory_space<vmem>> -> memref<80xi32, #tpu.memory_space<vmem>>
        %dma_start3A_131 = arith.constant 0 : i32
        %dma_start3A_132 = arith.constant 0 : i32
        %dma_start3A_133 = tpu.memref_slice %arg2[%dma_start3A_131, %dma_start3A_132] : memref<10000x128xf32, #tpu.memory_space<hbm>> -> memref<10000x128xf32, #tpu.memory_space<hbm>>
        tpu.enqueue_indirect_dma source(%dma_start3A_133 : memref<10000x128xf32, #tpu.memory_space<hbm>>) target(%arg9 : memref<80x128xf32, #tpu.memory_space<vmem>>) offsets(%dma_start3A_130 : memref<80xi32, #tpu.memory_space<vmem>>) semaphore(%arg14 : memref<!tpu.dma_semaphore, #tpu.memory_space<semaphore_mem>>)
      } else {
      }
      %add3A_121 = arith.constant 2 : i32
      %add3A_122 = arith.addi %mul3A_68, %add3A_121 : i32
      "tpu.region"() ({
        %run_scoped3A_124 = tpu.sem_alloc : memref<!tpu.dma_semaphore, #tpu.memory_space<semaphore_mem>>
        %dma_start3A_125 = arith.constant 0 : i32
        %dma_start3A_126 = tpu.memref_slice %arg7[%add3A_122, %dma_start3A_125] : memref<125x80xi32, #tpu.memory_space<vmem>> -> memref<1x80xi32, #tpu.memory_space<vmem>>
        %dma_start3A_127 = tpu.memref_squeeze %dma_start3A_126 : memref<1x80xi32, #tpu.memory_space<vmem>> -> memref<80xi32, #tpu.memory_space<vmem>>
        %dma_start3A_128 = arith.constant 0 : i32
        %dma_start3A_129 = arith.constant 0 : i32
        %dma_start3A_130 = tpu.memref_slice %arg11[%dma_start3A_128, %dma_start3A_129] : memref<10000x128xf32, #tpu.memory_space<vmem_shared>> -> memref<10000x128xf32, #tpu.memory_space<vmem_shared>>
        tpu.enqueue_indirect_dma source(%arg10 : memref<80x128xf32, #tpu.memory_space<vmem>>) target(%dma_start3A_130 : memref<10000x128xf32, #tpu.memory_space<vmem_shared>>) offsets(%dma_start3A_127 : memref<80xi32, #tpu.memory_space<vmem>>) semaphore(%run_scoped3A_124 : memref<!tpu.dma_semaphore, #tpu.memory_space<semaphore_mem>>) {add = true}
        %dma_wait3A_131 = arith.constant 0 : i32
        %dma_wait3A_132 = tpu.memref_slice %arg7[%add3A_122, %dma_wait3A_131] : memref<125x80xi32, #tpu.memory_space<vmem>> -> memref<1x80xi32, #tpu.memory_space<vmem>>
        %dma_wait3A_133 = tpu.memref_squeeze %dma_wait3A_132 : memref<1x80xi32, #tpu.memory_space<vmem>> -> memref<80xi32, #tpu.memory_space<vmem>>
        %dma_wait3A_134 = arith.constant 0 : i32
        %dma_wait3A_135 = arith.constant 0 : i32
        %dma_wait3A_136 = tpu.memref_slice %arg11[%dma_wait3A_134, %dma_wait3A_135] : memref<10000x128xf32, #tpu.memory_space<vmem_shared>> -> memref<10000x128xf32, #tpu.memory_space<vmem_shared>>
        tpu.wait_indirect_dma semaphore(%run_scoped3A_124 : memref<!tpu.dma_semaphore, #tpu.memory_space<semaphore_mem>>) src(%arg10 : memref<80x128xf32, #tpu.memory_space<vmem>>) dst(%dma_wait3A_136 : memref<10000x128xf32, #tpu.memory_space<vmem_shared>>)
        tpu.yield
      }) : () -> ()
      %scan3A_123 = arith.constant 0 : i32
      scf.yield %scan3A_123 : i32
    }
    %scan3A_45 = arith.constant 41 : i32
    %dma_wait3A = arith.constant 123 : i32
    %dma_wait3A_46 = arith.constant 0 : i32
    %dma_wait3A_47 = tpu.memref_slice %arg6[%dma_wait3A, %dma_wait3A_46] : memref<125x80xi32, #tpu.memory_space<vmem>> -> memref<1x80xi32, #tpu.memory_space<vmem>>
    %dma_wait3A_48 = tpu.memref_squeeze %dma_wait3A_47 : memref<1x80xi32, #tpu.memory_space<vmem>> -> memref<80xi32, #tpu.memory_space<vmem>>
    %dma_wait3A_49 = arith.constant 0 : i32
    %dma_wait3A_50 = arith.constant 0 : i32
    %dma_wait3A_51 = tpu.memref_slice %arg2[%dma_wait3A_49, %dma_wait3A_50] : memref<10000x128xf32, #tpu.memory_space<hbm>> -> memref<10000x128xf32, #tpu.memory_space<hbm>>
    tpu.wait_indirect_dma semaphore(%arg13 : memref<!tpu.dma_semaphore, #tpu.memory_space<semaphore_mem>>) src(%dma_wait3A_51 : memref<10000x128xf32, #tpu.memory_space<hbm>>) dst(%arg8 : memref<80x128xf32, #tpu.memory_space<vmem>>)
    %run_scoped3A = arith.constant 123 : i32
    "tpu.region"() ({
      %run_scoped3A_65 = tpu.sem_alloc : memref<!tpu.dma_semaphore, #tpu.memory_space<semaphore_mem>>
      %dma_start3A_66 = arith.constant 0 : i32
      %dma_start3A_67 = tpu.memref_slice %arg7[%run_scoped3A, %dma_start3A_66] : memref<125x80xi32, #tpu.memory_space<vmem>> -> memref<1x80xi32, #tpu.memory_space<vmem>>
      %dma_start3A_68 = tpu.memref_squeeze %dma_start3A_67 : memref<1x80xi32, #tpu.memory_space<vmem>> -> memref<80xi32, #tpu.memory_space<vmem>>
      %dma_start3A_69 = arith.constant 0 : i32
      %dma_start3A_70 = arith.constant 0 : i32
      %dma_start3A_71 = tpu.memref_slice %arg11[%dma_start3A_69, %dma_start3A_70] : memref<10000x128xf32, #tpu.memory_space<vmem_shared>> -> memref<10000x128xf32, #tpu.memory_space<vmem_shared>>
      tpu.enqueue_indirect_dma source(%arg8 : memref<80x128xf32, #tpu.memory_space<vmem>>) target(%dma_start3A_71 : memref<10000x128xf32, #tpu.memory_space<vmem_shared>>) offsets(%dma_start3A_68 : memref<80xi32, #tpu.memory_space<vmem>>) semaphore(%run_scoped3A_65 : memref<!tpu.dma_semaphore, #tpu.memory_space<semaphore_mem>>) {add = true}
      %dma_wait3A_72 = arith.constant 0 : i32
      %dma_wait3A_73 = tpu.memref_slice %arg7[%run_scoped3A, %dma_wait3A_72] : memref<125x80xi32, #tpu.memory_space<vmem>> -> memref<1x80xi32, #tpu.memory_space<vmem>>
      %dma_wait3A_74 = tpu.memref_squeeze %dma_wait3A_73 : memref<1x80xi32, #tpu.memory_space<vmem>> -> memref<80xi32, #tpu.memory_space<vmem>>
      %dma_wait3A_75 = arith.constant 0 : i32
      %dma_wait3A_76 = arith.constant 0 : i32
      %dma_wait3A_77 = tpu.memref_slice %arg11[%dma_wait3A_75, %dma_wait3A_76] : memref<10000x128xf32, #tpu.memory_space<vmem_shared>> -> memref<10000x128xf32, #tpu.memory_space<vmem_shared>>
      tpu.wait_indirect_dma semaphore(%run_scoped3A_65 : memref<!tpu.dma_semaphore, #tpu.memory_space<semaphore_mem>>) src(%arg8 : memref<80x128xf32, #tpu.memory_space<vmem>>) dst(%dma_wait3A_77 : memref<10000x128xf32, #tpu.memory_space<vmem_shared>>)
      tpu.yield
    }) : () -> ()
    %dma_wait3A_52 = arith.constant 124 : i32
    %dma_wait3A_53 = arith.constant 0 : i32
    %dma_wait3A_54 = tpu.memref_slice %arg6[%dma_wait3A_52, %dma_wait3A_53] : memref<125x80xi32, #tpu.memory_space<vmem>> -> memref<1x80xi32, #tpu.memory_space<vmem>>
    %dma_wait3A_55 = tpu.memref_squeeze %dma_wait3A_54 : memref<1x80xi32, #tpu.memory_space<vmem>> -> memref<80xi32, #tpu.memory_space<vmem>>
    %dma_wait3A_56 = arith.constant 0 : i32
    %dma_wait3A_57 = arith.constant 0 : i32
    %dma_wait3A_58 = tpu.memref_slice %arg2[%dma_wait3A_56, %dma_wait3A_57] : memref<10000x128xf32, #tpu.memory_space<hbm>> -> memref<10000x128xf32, #tpu.memory_space<hbm>>
    tpu.wait_indirect_dma semaphore(%arg14 : memref<!tpu.dma_semaphore, #tpu.memory_space<semaphore_mem>>) src(%dma_wait3A_58 : memref<10000x128xf32, #tpu.memory_space<hbm>>) dst(%arg9 : memref<80x128xf32, #tpu.memory_space<vmem>>)
    %run_scoped3A_59 = arith.constant 124 : i32
    "tpu.region"() ({
      %run_scoped3A_65 = tpu.sem_alloc : memref<!tpu.dma_semaphore, #tpu.memory_space<semaphore_mem>>
      %dma_start3A_66 = arith.constant 0 : i32
      %dma_start3A_67 = tpu.memref_slice %arg7[%run_scoped3A_59, %dma_start3A_66] : memref<125x80xi32, #tpu.memory_space<vmem>> -> memref<1x80xi32, #tpu.memory_space<vmem>>
      %dma_start3A_68 = tpu.memref_squeeze %dma_start3A_67 : memref<1x80xi32, #tpu.memory_space<vmem>> -> memref<80xi32, #tpu.memory_space<vmem>>
      %dma_start3A_69 = arith.constant 0 : i32
      %dma_start3A_70 = arith.constant 0 : i32
      %dma_start3A_71 = tpu.memref_slice %arg11[%dma_start3A_69, %dma_start3A_70] : memref<10000x128xf32, #tpu.memory_space<vmem_shared>> -> memref<10000x128xf32, #tpu.memory_space<vmem_shared>>
      tpu.enqueue_indirect_dma source(%arg9 : memref<80x128xf32, #tpu.memory_space<vmem>>) target(%dma_start3A_71 : memref<10000x128xf32, #tpu.memory_space<vmem_shared>>) offsets(%dma_start3A_68 : memref<80xi32, #tpu.memory_space<vmem>>) semaphore(%run_scoped3A_65 : memref<!tpu.dma_semaphore, #tpu.memory_space<semaphore_mem>>) {add = true}
      %dma_wait3A_72 = arith.constant 0 : i32
      %dma_wait3A_73 = tpu.memref_slice %arg7[%run_scoped3A_59, %dma_wait3A_72] : memref<125x80xi32, #tpu.memory_space<vmem>> -> memref<1x80xi32, #tpu.memory_space<vmem>>
      %dma_wait3A_74 = tpu.memref_squeeze %dma_wait3A_73 : memref<1x80xi32, #tpu.memory_space<vmem>> -> memref<80xi32, #tpu.memory_space<vmem>>
      %dma_wait3A_75 = arith.constant 0 : i32
      %dma_wait3A_76 = arith.constant 0 : i32
      %dma_wait3A_77 = tpu.memref_slice %arg11[%dma_wait3A_75, %dma_wait3A_76] : memref<10000x128xf32, #tpu.memory_space<vmem_shared>> -> memref<10000x128xf32, #tpu.memory_space<vmem_shared>>
      tpu.wait_indirect_dma semaphore(%run_scoped3A_65 : memref<!tpu.dma_semaphore, #tpu.memory_space<semaphore_mem>>) src(%arg9 : memref<80x128xf32, #tpu.memory_space<vmem>>) dst(%dma_wait3A_77 : memref<10000x128xf32, #tpu.memory_space<vmem_shared>>)
      tpu.yield
    }) : () -> ()
    %barrier3A_60 = arith.constant 0 : index
    tpu.barrier barrier_id(%barrier3A_60)
    %mul3A_61 = arith.constant 625 : i32
    %mul3A_62 = arith.muli %arg1, %mul3A_61 : i32
    %mul3A_63 = arith.constant 625 : i32
    %mul3A_64 = arith.muli %arg1, %mul3A_63 : i32
    "tpu.region"() ({
      %run_scoped3A_65 = tpu.sem_alloc : memref<!tpu.dma_semaphore, #tpu.memory_space<semaphore_mem>>
      %dma_start3A_66 = arith.constant 0 : i32
      %dma_start3A_67 = tpu.memref_slice %arg5[%arg0, %mul3A_64, %dma_start3A_66] : memref<2x10000x128xf32, #tpu.memory_space<hbm>> -> memref<1x625x128xf32, #tpu.memory_space<hbm>>
      %dma_start3A_68 = tpu.memref_squeeze %dma_start3A_67 : memref<1x625x128xf32, #tpu.memory_space<hbm>> -> memref<625x128xf32, #tpu.memory_space<hbm>>
      %dma_start3A_69 = arith.constant 0 : i32
      %dma_start3A_70 = tpu.memref_slice %arg11[%mul3A_62, %dma_start3A_69] : memref<10000x128xf32, #tpu.memory_space<vmem_shared>> -> memref<625x128xf32, #tpu.memory_space<vmem_shared>>
      tpu.enqueue_dma source(%dma_start3A_70 : memref<625x128xf32, #tpu.memory_space<vmem_shared>>) target(%dma_start3A_68 : memref<625x128xf32, #tpu.memory_space<hbm>>) target_semaphore(%run_scoped3A_65 : memref<!tpu.dma_semaphore, #tpu.memory_space<semaphore_mem>>)
      %dma_wait3A_71 = arith.constant 0 : i32
      %dma_wait3A_72 = tpu.memref_slice %arg5[%arg0, %mul3A_64, %dma_wait3A_71] : memref<2x10000x128xf32, #tpu.memory_space<hbm>> -> memref<1x625x128xf32, #tpu.memory_space<hbm>>
      %dma_wait3A_73 = tpu.memref_squeeze %dma_wait3A_72 : memref<1x625x128xf32, #tpu.memory_space<hbm>> -> memref<625x128xf32, #tpu.memory_space<hbm>>
      %dma_wait3A_74 = arith.constant 0 : i32
      %dma_wait3A_75 = tpu.memref_slice %arg11[%mul3A_62, %dma_wait3A_74] : memref<10000x128xf32, #tpu.memory_space<vmem_shared>> -> memref<625x128xf32, #tpu.memory_space<vmem_shared>>
      tpu.wait_dma2 semaphore(%run_scoped3A_65 : memref<!tpu.dma_semaphore, #tpu.memory_space<semaphore_mem>>) src(%dma_wait3A_75 : memref<625x128xf32, #tpu.memory_space<vmem_shared>>) dst(%dma_wait3A_73 : memref<625x128xf32, #tpu.memory_space<hbm>>)
      tpu.yield
    }) : () -> ()
    return
  }
}

module attributes {stable_mosaic.version = 14 : i64} {
  func.func @_tc0_body(%arg0: i32, %arg1: memref<2000x128xf32, #tpu.memory_space<vmem>>, %arg2: memref<128x128xf32, #tpu.memory_space<vmem>>, %arg3: memref<2000x128xf32, #tpu.memory_space<vmem>>) attributes {dimension_semantics = [#tpu.dimension_semantics<arbitrary>], iteration_bounds = array<i64: 5>, scalar_prefetch = 0 : i64, scratch_operands = 0 : i64, tpu.core_type = #tpu.core_type<tc>, window_params = [{transform_indices = @transform_0, window_bounds = array<i64: 2000, 128>}, {pipeline_mode = #tpu.pipeline_mode<synchronous>, transform_indices = @transform_1, window_bounds = array<i64: 128, 128>}, {transform_indices = @transform_2, window_bounds = array<i64: 2000, 128>}]} {
    %get3A = arith.constant 0 : index
    %get3A_0 = arith.constant 0 : index
    %get3A_1 = vector.load %arg1[%get3A, %get3A_0] : memref<2000x128xf32, #tpu.memory_space<vmem>>, vector<2000x128xf32>
    %get3A_2 = arith.constant 0 : index
    %get3A_3 = arith.constant 0 : index
    %get3A_4 = vector.load %arg2[%get3A_2, %get3A_3] : memref<128x128xf32, #tpu.memory_space<vmem>>, vector<128x128xf32>
    %dot_general3A = arith.constant dense<0.000000e+00> : vector<2000x128xf32>
    %dot_general3A_5 = tpu.matmul %get3A_1, %get3A_4, %dot_general3A {dimension_numbers = #tpu.dot_dimension_numbers<[1], [0], [0], [1], [0, 0, 1, 1], [], []>, transpose_lhs_hint = false} : vector<2000x128xf32>, vector<128x128xf32>, vector<2000x128xf32> -> vector<2000x128xf32>
    %swap3A = arith.constant 0 : index
    %swap3A_6 = arith.constant 0 : index
    %swap3A_7 = vector.load %arg3[%swap3A, %swap3A_6] : memref<2000x128xf32, #tpu.memory_space<vmem>>, vector<2000x128xf32>
    tpu.vector_store %arg3[%swap3A, %swap3A_6], %dot_general3A_5 {strides = array<i32>} : memref<2000x128xf32, #tpu.memory_space<vmem>>, vector<2000x128xf32>,
    return
  }
  func.func @transform_0(%arg0: i32) -> (i32, i32) {
    %c0_i32 = arith.constant 0 : i32
    %c0_i32_0 = arith.constant 0 : i32
    return %arg0, %c0_i32 : i32, i32
  }
  func.func @transform_1(%arg0: i32) -> (i32, i32) {
    %c0_i32 = arith.constant 0 : i32
    %c0_i32_0 = arith.constant 0 : i32
    %c0_i32_1 = arith.constant 0 : i32
    return %c0_i32, %c0_i32_0 : i32, i32
  }
  func.func @transform_2(%arg0: i32) -> (i32, i32) {
    %c0_i32 = arith.constant 0 : i32
    %c0_i32_0 = arith.constant 0 : i32
    return %arg0, %c0_i32 : i32, i32
  }
}

module attributes {stable_mosaic.version = 14 : i64} {
  func.func @_tc1_body(%arg0: i32, %arg1: memref<2000x128xf32, #tpu.memory_space<vmem>>, %arg2: memref<2000x32xf32, #tpu.memory_space<vmem>>, %arg3: memref<2000x128xf32, #tpu.memory_space<vmem>>, %arg4: memref<2000x1xf32, #tpu.memory_space<vmem>>) attributes {dimension_semantics = [#tpu.dimension_semantics<arbitrary>], iteration_bounds = array<i64: 5>, scalar_prefetch = 0 : i64, scratch_operands = 0 : i64, tpu.core_type = #tpu.core_type<tc>, window_params = [{transform_indices = @transform_0, window_bounds = array<i64: 2000, 128>}, {transform_indices = @transform_1, window_bounds = array<i64: 2000, 32>}, {transform_indices = @transform_2, window_bounds = array<i64: 2000, 128>}, {transform_indices = @transform_3, window_bounds = array<i64: 2000, 1>}]} {
    %get3A = arith.constant 0 : index
    %get3A_0 = arith.constant 0 : index
    %get3A_1 = vector.load %arg2[%get3A, %get3A_0] : memref<2000x32xf32, #tpu.memory_space<vmem>>, vector<2000x32xf32>
    %reduce_sum3A = arith.constant dense<0.000000e+00> : vector<2000xf32>
    %reduce_sum3A_2 = vector.multi_reduction <add>, %get3A_1, %reduce_sum3A [1] : vector<2000x32xf32> to vector<2000xf32>
    %add3A = arith.constant 1.000000e+00 : f32
    %add3A_3 = vector.broadcast %add3A : f32 to vector<2000xf32>
    %add3A_4 = arith.addf %reduce_sum3A_2, %add3A_3 : vector<2000xf32>
    %rsqrt3A = math.rsqrt %add3A_4 : vector<2000xf32>
    %get3A_5 = arith.constant 0 : index
    %get3A_6 = arith.constant 0 : index
    %get3A_7 = vector.load %arg1[%get3A_5, %get3A_6] : memref<2000x128xf32, #tpu.memory_space<vmem>>, vector<2000x128xf32>
    %broadcast_in_dim3A = vector.shape_cast %rsqrt3A : vector<2000xf32> to vector<2000x1xf32>
    %mul3A = vector.broadcast %broadcast_in_dim3A : vector<2000x1xf32> to vector<2000x128xf32>
    %mul3A_8 = arith.mulf %get3A_7, %mul3A : vector<2000x128xf32>
    %swap3A = arith.constant 0 : index
    %swap3A_9 = arith.constant 0 : index
    %swap3A_10 = vector.load %arg3[%swap3A, %swap3A_9] : memref<2000x128xf32, #tpu.memory_space<vmem>>, vector<2000x128xf32>
    tpu.vector_store %arg3[%swap3A, %swap3A_9], %mul3A_8 {strides = array<i32>} : memref<2000x128xf32, #tpu.memory_space<vmem>>, vector<2000x128xf32>,
    %broadcast_in_dim3A_11 = vector.shape_cast %rsqrt3A : vector<2000xf32> to vector<2000x1xf32>
    %swap3A_12 = arith.constant 0 : index
    %swap3A_13 = arith.constant 0 : index
    %swap3A_14 = vector.load %arg4[%swap3A_12, %swap3A_13] : memref<2000x1xf32, #tpu.memory_space<vmem>>, vector<2000x1xf32>
    tpu.vector_store %arg4[%swap3A_12, %swap3A_13], %broadcast_in_dim3A_11 {strides = array<i32>} : memref<2000x1xf32, #tpu.memory_space<vmem>>, vector<2000x1xf32>,
    return
  }
  func.func @transform_0(%arg0: i32) -> (i32, i32) {
    %c0_i32 = arith.constant 0 : i32
    %c0_i32_0 = arith.constant 0 : i32
    return %arg0, %c0_i32 : i32, i32
  }
  func.func @transform_1(%arg0: i32) -> (i32, i32) {
    %c0_i32 = arith.constant 0 : i32
    %c0_i32_0 = arith.constant 0 : i32
    return %arg0, %c0_i32 : i32, i32
  }
  func.func @transform_2(%arg0: i32) -> (i32, i32) {
    %c0_i32 = arith.constant 0 : i32
    %c0_i32_0 = arith.constant 0 : i32
    return %arg0, %c0_i32 : i32, i32
  }
  func.func @transform_3(%arg0: i32) -> (i32, i32) {
    %c0_i32 = arith.constant 0 : i32
    %c0_i32_0 = arith.constant 0 : i32
    return %arg0, %c0_i32 : i32, i32
  }
}

module attributes {stable_mosaic.version = 14 : i64} {
  func.func @_tc2_body(%arg0: i32, %arg1: memref<1x2000x128xf32, #tpu.memory_space<vmem>>, %arg2: memref<1x2000x128xf32, #tpu.memory_space<vmem>>, %arg3: memref<2000x128xf32, #tpu.memory_space<vmem>>, %arg4: memref<2000x1xf32, #tpu.memory_space<vmem>>, %arg5: memref<128x128xf32, #tpu.memory_space<vmem>>, %arg6: memref<1x128xf32, #tpu.memory_space<vmem>>, %arg7: memref<2000x128xf32, #tpu.memory_space<vmem>>, %arg8: memref<2000x128xf32, #tpu.memory_space<vmem>>) attributes {dimension_semantics = [#tpu.dimension_semantics<arbitrary>], iteration_bounds = array<i64: 5>, scalar_prefetch = 0 : i64, scratch_operands = 0 : i64, tpu.core_type = #tpu.core_type<tc>, window_params = [{transform_indices = @transform_0, window_bounds = array<i64: 1, 2000, 128>}, {transform_indices = @transform_1, window_bounds = array<i64: 1, 2000, 128>}, {transform_indices = @transform_2, window_bounds = array<i64: 2000, 128>}, {transform_indices = @transform_3, window_bounds = array<i64: 2000, 1>}, {pipeline_mode = #tpu.pipeline_mode<synchronous>, transform_indices = @transform_4, window_bounds = array<i64: 128, 128>}, {pipeline_mode = #tpu.pipeline_mode<synchronous>, transform_indices = @transform_5, window_bounds = array<i64: 1, 128>}, {transform_indices = @transform_6, window_bounds = array<i64: 2000, 128>}, {transform_indices = @transform_7, window_bounds = array<i64: 2000, 128>}]} {
    %get3A = arith.constant 0 : index
    %get3A_0 = arith.constant 0 : index
    %get3A_1 = vector.load %arg4[%get3A, %get3A_0] : memref<2000x1xf32, #tpu.memory_space<vmem>>, vector<2000x1xf32>
    %get3A_2 = arith.constant 0 : index
    %get3A_3 = arith.constant 0 : index
    %get3A_4 = arith.constant 0 : index
    %get3A_5 = vector.load %arg1[%get3A_2, %get3A_3, %get3A_4] : memref<1x2000x128xf32, #tpu.memory_space<vmem>>, vector<1x2000x128xf32>
    %get3A_6 = vector.shape_cast %get3A_5 : vector<1x2000x128xf32> to vector<2000x128xf32>
    %get3A_7 = arith.constant 0 : index
    %get3A_8 = arith.constant 0 : index
    %get3A_9 = arith.constant 0 : index
    %get3A_10 = vector.load %arg2[%get3A_7, %get3A_8, %get3A_9] : memref<1x2000x128xf32, #tpu.memory_space<vmem>>, vector<1x2000x128xf32>
    %get3A_11 = vector.shape_cast %get3A_10 : vector<1x2000x128xf32> to vector<2000x128xf32>
    %add3A = arith.addf %get3A_6, %get3A_11 : vector<2000x128xf32>
    %mul3A = vector.broadcast %get3A_1 : vector<2000x1xf32> to vector<2000x128xf32>
    %mul3A_12 = arith.mulf %mul3A, %add3A : vector<2000x128xf32>
    %mul3A_13 = arith.mulf %get3A_1, %get3A_1 : vector<2000x1xf32>
    %get3A_14 = arith.constant 0 : index
    %get3A_15 = arith.constant 0 : index
    %get3A_16 = vector.load %arg3[%get3A_14, %get3A_15] : memref<2000x128xf32, #tpu.memory_space<vmem>>, vector<2000x128xf32>
    %mul3A_17 = vector.broadcast %mul3A_13 : vector<2000x1xf32> to vector<2000x128xf32>
    %mul3A_18 = arith.mulf %mul3A_17, %get3A_16 : vector<2000x128xf32>
    %add3A_19 = arith.addf %mul3A_12, %mul3A_18 : vector<2000x128xf32>
    %get3A_20 = arith.constant 0 : index
    %get3A_21 = arith.constant 0 : index
    %get3A_22 = vector.load %arg6[%get3A_20, %get3A_21] : memref<1x128xf32, #tpu.memory_space<vmem>>, vector<1x128xf32>
    %add3A_23 = vector.broadcast %get3A_22 : vector<1x128xf32> to vector<2000x128xf32>
    %add3A_24 = arith.addf %add3A_19, %add3A_23 : vector<2000x128xf32>
    %ge3A = arith.constant 0.000000e+00 : f32
    %ge3A_25 = vector.broadcast %ge3A : f32 to vector<2000x128xf32>
    %ge3A_26 = arith.cmpf oge, %add3A_24, %ge3A_25 : vector<2000x128xf32>
    %mul3A_27 = arith.constant 0.00999999977 : f32
    %mul3A_28 = vector.broadcast %mul3A_27 : f32 to vector<2000x128xf32>
    %mul3A_29 = arith.mulf %mul3A_28, %add3A_24 : vector<2000x128xf32>
    %select_n3A = arith.select %ge3A_26, %add3A_24, %mul3A_29 : vector<2000x128xi1>, vector<2000x128xf32>
    %get3A_30 = arith.constant 0 : index
    %get3A_31 = arith.constant 0 : index
    %get3A_32 = vector.load %arg5[%get3A_30, %get3A_31] : memref<128x128xf32, #tpu.memory_space<vmem>>, vector<128x128xf32>
    %dot_general3A = arith.constant dense<0.000000e+00> : vector<2000x128xf32>
    %dot_general3A_33 = tpu.matmul %select_n3A, %get3A_32, %dot_general3A {dimension_numbers = #tpu.dot_dimension_numbers<[1], [0], [0], [1], [0, 0, 1, 1], [], []>, transpose_lhs_hint = false} : vector<2000x128xf32>, vector<128x128xf32>, vector<2000x128xf32> -> vector<2000x128xf32>
    %swap3A = arith.constant 0 : index
    %swap3A_34 = arith.constant 0 : index
    %swap3A_35 = vector.load %arg7[%swap3A, %swap3A_34] : memref<2000x128xf32, #tpu.memory_space<vmem>>, vector<2000x128xf32>
    tpu.vector_store %arg7[%swap3A, %swap3A_34], %dot_general3A_33 {strides = array<i32>} : memref<2000x128xf32, #tpu.memory_space<vmem>>, vector<2000x128xf32>,
    %mul3A_36 = vector.broadcast %get3A_1 : vector<2000x1xf32> to vector<2000x128xf32>
    %mul3A_37 = arith.mulf %dot_general3A_33, %mul3A_36 : vector<2000x128xf32>
    %swap3A_38 = arith.constant 0 : index
    %swap3A_39 = arith.constant 0 : index
    %swap3A_40 = vector.load %arg8[%swap3A_38, %swap3A_39] : memref<2000x128xf32, #tpu.memory_space<vmem>>, vector<2000x128xf32>
    tpu.vector_store %arg8[%swap3A_38, %swap3A_39], %mul3A_37 {strides = array<i32>} : memref<2000x128xf32, #tpu.memory_space<vmem>>, vector<2000x128xf32>,
    return
  }
  func.func @transform_0(%arg0: i32) -> (i32, i32, i32) {
    %c0_i32 = arith.constant 0 : i32
    %c0_i32_0 = arith.constant 0 : i32
    %c0_i32_1 = arith.constant 0 : i32
    return %c0_i32, %arg0, %c0_i32_0 : i32, i32, i32
  }
  func.func @transform_1(%arg0: i32) -> (i32, i32, i32) {
    %c1_i32 = arith.constant 1 : i32
    %c0_i32 = arith.constant 0 : i32
    %c0_i32_0 = arith.constant 0 : i32
    return %c1_i32, %arg0, %c0_i32 : i32, i32, i32
  }
  func.func @transform_2(%arg0: i32) -> (i32, i32) {
    %c0_i32 = arith.constant 0 : i32
    %c0_i32_0 = arith.constant 0 : i32
    return %arg0, %c0_i32 : i32, i32
  }
  func.func @transform_3(%arg0: i32) -> (i32, i32) {
    %c0_i32 = arith.constant 0 : i32
    %c0_i32_0 = arith.constant 0 : i32
    return %arg0, %c0_i32 : i32, i32
  }
  func.func @transform_4(%arg0: i32) -> (i32, i32) {
    %c0_i32 = arith.constant 0 : i32
    %c0_i32_0 = arith.constant 0 : i32
    %c0_i32_1 = arith.constant 0 : i32
    return %c0_i32, %c0_i32_0 : i32, i32
  }
  func.func @transform_5(%arg0: i32) -> (i32, i32) {
    %c0_i32 = arith.constant 0 : i32
    %c0_i32_0 = arith.constant 0 : i32
    %c0_i32_1 = arith.constant 0 : i32
    return %c0_i32, %c0_i32_0 : i32, i32
  }
  func.func @transform_6(%arg0: i32) -> (i32, i32) {
    %c0_i32 = arith.constant 0 : i32
    %c0_i32_0 = arith.constant 0 : i32
    return %arg0, %c0_i32 : i32, i32
  }
  func.func @transform_7(%arg0: i32) -> (i32, i32) {
    %c0_i32 = arith.constant 0 : i32
    %c0_i32_0 = arith.constant 0 : i32
    return %arg0, %c0_i32 : i32, i32
  }
}

module attributes {stable_mosaic.version = 14 : i64} {
  func.func @_tc3_body(%arg0: i32, %arg1: memref<1x2000x128xf32, #tpu.memory_space<vmem>>, %arg2: memref<1x2000x128xf32, #tpu.memory_space<vmem>>, %arg3: memref<2000x128xf32, #tpu.memory_space<vmem>>, %arg4: memref<2000x1xf32, #tpu.memory_space<vmem>>, %arg5: memref<1x128xf32, #tpu.memory_space<vmem>>, %arg6: memref<1x1x2000xi32, #tpu.memory_space<vmem>>, %arg7: memref<128x64xf32, #tpu.memory_space<vmem>>, %arg8: memref<1x64xf32, #tpu.memory_space<vmem>>, %arg9: memref<64x32xf32, #tpu.memory_space<vmem>>, %arg10: memref<1x32xf32, #tpu.memory_space<vmem>>, %arg11: memref<32x1xf32, #tpu.memory_space<vmem>>, %arg12: memref<1x1xf32, #tpu.memory_space<vmem>>, %arg13: memref<32x1xf32, #tpu.memory_space<vmem>>, %arg14: memref<32x128xf32, #tpu.memory_space<vmem>>, %arg15: memref<32x128xf32, #tpu.memory_space<vmem>>) attributes {dimension_semantics = [#tpu.dimension_semantics<arbitrary>], iteration_bounds = array<i64: 5>, scalar_prefetch = 0 : i64, scratch_operands = 2 : i64, tpu.core_type = #tpu.core_type<tc>, window_params = [{transform_indices = @transform_0, window_bounds = array<i64: 1, 2000, 128>}, {transform_indices = @transform_1, window_bounds = array<i64: 1, 2000, 128>}, {transform_indices = @transform_2, window_bounds = array<i64: 2000, 128>}, {transform_indices = @transform_3, window_bounds = array<i64: 2000, 1>}, {pipeline_mode = #tpu.pipeline_mode<synchronous>, transform_indices = @transform_4, window_bounds = array<i64: 1, 128>}, {transform_indices = @transform_5, window_bounds = array<i64: 1, 1, 2000>}, {pipeline_mode = #tpu.pipeline_mode<synchronous>, transform_indices = @transform_6, window_bounds = array<i64: 128, 64>}, {pipeline_mode = #tpu.pipeline_mode<synchronous>, transform_indices = @transform_7, window_bounds = array<i64: 1, 64>}, {pipeline_mode = #tpu.pipeline_mode<synchronous>, transform_indices = @transform_8, window_bounds = array<i64: 64, 32>}, {pipeline_mode = #tpu.pipeline_mode<synchronous>, transform_indices = @transform_9, window_bounds = array<i64: 1, 32>}, {pipeline_mode = #tpu.pipeline_mode<synchronous>, transform_indices = @transform_10, window_bounds = array<i64: 32, 1>}, {pipeline_mode = #tpu.pipeline_mode<synchronous>, transform_indices = @transform_11, window_bounds = array<i64: 1, 1>}, {pipeline_mode = #tpu.pipeline_mode<synchronous>, transform_indices = @transform_12, window_bounds = array<i64: 32, 1>}]} {
    %eq3A = arith.constant 0 : i32
    %eq3A_0 = arith.cmpi eq, %arg0, %eq3A : i32
    %convert_element_type3A = arith.extui %eq3A_0 : i1 to i32
    %cond3A = arith.constant 0 : i32
    %cond3A_1 = arith.cmpi ne, %convert_element_type3A, %cond3A : i32
    scf.if %cond3A_1 {
      %broadcast_in_dim3A_64 = arith.constant 0.000000e+00 : f32
      %broadcast_in_dim3A_65 = vector.broadcast %broadcast_in_dim3A_64 : f32 to vector<32x128xf32>
      %swap3A_66 = arith.constant 0 : index
      %swap3A_67 = arith.constant 0 : index
      %swap3A_68 = vector.load %arg14[%swap3A_66, %swap3A_67] : memref<32x128xf32, #tpu.memory_space<vmem>>, vector<32x128xf32>
      tpu.vector_store %arg14[%swap3A_66, %swap3A_67], %broadcast_in_dim3A_65 {strides = array<i32>} : memref<32x128xf32, #tpu.memory_space<vmem>>, vector<32x128xf32>,
      %broadcast_in_dim3A_69 = arith.constant 0.000000e+00 : f32
      %broadcast_in_dim3A_70 = vector.broadcast %broadcast_in_dim3A_69 : f32 to vector<32x128xf32>
      %swap3A_71 = arith.constant 0 : index
      %swap3A_72 = arith.constant 0 : index
      %swap3A_73 = vector.load %arg15[%swap3A_71, %swap3A_72] : memref<32x128xf32, #tpu.memory_space<vmem>>, vector<32x128xf32>
      tpu.vector_store %arg15[%swap3A_71, %swap3A_72], %broadcast_in_dim3A_70 {strides = array<i32>} : memref<32x128xf32, #tpu.memory_space<vmem>>, vector<32x128xf32>,
    } else {
    }
    %get3A = arith.constant 0 : index
    %get3A_2 = arith.constant 0 : index
    %get3A_3 = vector.load %arg4[%get3A, %get3A_2] : memref<2000x1xf32, #tpu.memory_space<vmem>>, vector<2000x1xf32>
    %get3A_4 = arith.constant 0 : index
    %get3A_5 = arith.constant 0 : index
    %get3A_6 = arith.constant 0 : index
    %get3A_7 = vector.load %arg1[%get3A_4, %get3A_5, %get3A_6] : memref<1x2000x128xf32, #tpu.memory_space<vmem>>, vector<1x2000x128xf32>
    %get3A_8 = vector.shape_cast %get3A_7 : vector<1x2000x128xf32> to vector<2000x128xf32>
    %get3A_9 = arith.constant 0 : index
    %get3A_10 = arith.constant 0 : index
    %get3A_11 = arith.constant 0 : index
    %get3A_12 = vector.load %arg2[%get3A_9, %get3A_10, %get3A_11] : memref<1x2000x128xf32, #tpu.memory_space<vmem>>, vector<1x2000x128xf32>
    %get3A_13 = vector.shape_cast %get3A_12 : vector<1x2000x128xf32> to vector<2000x128xf32>
    %add3A = arith.addf %get3A_8, %get3A_13 : vector<2000x128xf32>
    %mul3A = vector.broadcast %get3A_3 : vector<2000x1xf32> to vector<2000x128xf32>
    %mul3A_14 = arith.mulf %mul3A, %add3A : vector<2000x128xf32>
    %mul3A_15 = arith.mulf %get3A_3, %get3A_3 : vector<2000x1xf32>
    %get3A_16 = arith.constant 0 : index
    %get3A_17 = arith.constant 0 : index
    %get3A_18 = vector.load %arg3[%get3A_16, %get3A_17] : memref<2000x128xf32, #tpu.memory_space<vmem>>, vector<2000x128xf32>
    %mul3A_19 = vector.broadcast %mul3A_15 : vector<2000x1xf32> to vector<2000x128xf32>
    %mul3A_20 = arith.mulf %mul3A_19, %get3A_18 : vector<2000x128xf32>
    %add3A_21 = arith.addf %mul3A_14, %mul3A_20 : vector<2000x128xf32>
    %get3A_22 = arith.constant 0 : index
    %get3A_23 = arith.constant 0 : index
    %get3A_24 = vector.load %arg5[%get3A_22, %get3A_23] : memref<1x128xf32, #tpu.memory_space<vmem>>, vector<1x128xf32>
    %add3A_25 = vector.broadcast %get3A_24 : vector<1x128xf32> to vector<2000x128xf32>
    %add3A_26 = arith.addf %add3A_21, %add3A_25 : vector<2000x128xf32>
    %ge3A = arith.constant 0.000000e+00 : f32
    %ge3A_27 = vector.broadcast %ge3A : f32 to vector<2000x128xf32>
    %ge3A_28 = arith.cmpf oge, %add3A_26, %ge3A_27 : vector<2000x128xf32>
    %mul3A_29 = arith.constant 0.00999999977 : f32
    %mul3A_30 = vector.broadcast %mul3A_29 : f32 to vector<2000x128xf32>
    %mul3A_31 = arith.mulf %mul3A_30, %add3A_26 : vector<2000x128xf32>
    %select_n3A = arith.select %ge3A_28, %add3A_26, %mul3A_31 : vector<2000x128xi1>, vector<2000x128xf32>
    %get3A_32 = arith.constant 0 : index
    %get3A_33 = arith.constant 0 : index
    %get3A_34 = arith.constant 0 : index
    %get3A_35 = vector.load %arg6[%get3A_32, %get3A_33, %get3A_34] : memref<1x1x2000xi32, #tpu.memory_space<vmem>>, vector<1x1x2000xi32>
    %get3A_36 = vector.shape_cast %get3A_35 : vector<1x1x2000xi32> to vector<2000xi32>
    %iota3A = tpu.iota {dimensions = array<i32: 0>} : vector<32x2000xi32>
    %broadcast_in_dim3A = vector.shape_cast %get3A_36 : vector<2000xi32> to vector<1x2000xi32>
    %eq3A_37 = vector.broadcast %broadcast_in_dim3A : vector<1x2000xi32> to vector<32x2000xi32>
    %eq3A_38 = arith.cmpi eq, %eq3A_37, %iota3A : vector<32x2000xi32>
    %convert_element_type3A_39 = arith.extui %eq3A_38 : vector<32x2000xi1> to vector<32x2000xi32>
    %convert_element_type3A_40 = arith.sitofp %convert_element_type3A_39 : vector<32x2000xi32> to vector<32x2000xf32>
    %get3A_41 = arith.constant 0 : index
    %get3A_42 = arith.constant 0 : index
    %get3A_43 = vector.load %arg14[%get3A_41, %get3A_42] : memref<32x128xf32, #tpu.memory_space<vmem>>, vector<32x128xf32>
    %dot_general3A = arith.constant dense<0.000000e+00> : vector<32x128xf32>
    %dot_general3A_44 = tpu.matmul %convert_element_type3A_40, %select_n3A, %dot_general3A {dimension_numbers = #tpu.dot_dimension_numbers<[1], [0], [0], [1], [0, 0, 1, 1], [], []>, precision = #tpu.contract_precision<fp32>, transpose_lhs_hint = false} : vector<32x2000xf32>, vector<2000x128xf32>, vector<32x128xf32> -> vector<32x128xf32>
    %add3A_45 = arith.addf %get3A_43, %dot_general3A_44 : vector<32x128xf32>
    %swap3A = arith.constant 0 : index
    %swap3A_46 = arith.constant 0 : index
    %swap3A_47 = vector.load %arg14[%swap3A, %swap3A_46] : memref<32x128xf32, #tpu.memory_space<vmem>>, vector<32x128xf32>
    tpu.vector_store %arg14[%swap3A, %swap3A_46], %add3A_45 {strides = array<i32>} : memref<32x128xf32, #tpu.memory_space<vmem>>, vector<32x128xf32>,
    %get3A_48 = arith.constant 0 : index
    %get3A_49 = arith.constant 0 : index
    %get3A_50 = vector.load %arg15[%get3A_48, %get3A_49] : memref<32x128xf32, #tpu.memory_space<vmem>>, vector<32x128xf32>
    %reduce_sum3A = arith.constant dense<0.000000e+00> : vector<32xf32>
    %reduce_sum3A_51 = vector.multi_reduction <add>, %convert_element_type3A_40, %reduce_sum3A [1] : vector<32x2000xf32> to vector<32xf32>
    %broadcast_in_dim3A_52 = vector.shape_cast %reduce_sum3A_51 : vector<32xf32> to vector<32x1xf32>
    %broadcast_in_dim3A_53 = vector.shape_cast %broadcast_in_dim3A_52 : vector<32x1xf32> to vector<32x1xf32>
    %broadcast_in_dim3A_54 = vector.broadcast %broadcast_in_dim3A_53 : vector<32x1xf32> to vector<32x128xf32>
    %add3A_55 = arith.addf %get3A_50, %broadcast_in_dim3A_54 : vector<32x128xf32>
    %swap3A_56 = arith.constant 0 : index
    %swap3A_57 = arith.constant 0 : index
    %swap3A_58 = vector.load %arg15[%swap3A_56, %swap3A_57] : memref<32x128xf32, #tpu.memory_space<vmem>>, vector<32x128xf32>
    tpu.vector_store %arg15[%swap3A_56, %swap3A_57], %add3A_55 {strides = array<i32>} : memref<32x128xf32, #tpu.memory_space<vmem>>, vector<32x128xf32>,
    %eq3A_59 = arith.constant 4 : i32
    %eq3A_60 = arith.cmpi eq, %arg0, %eq3A_59 : i32
    %convert_element_type3A_61 = arith.extui %eq3A_60 : i1 to i32
    %cond3A_62 = arith.constant 0 : i32
    %cond3A_63 = arith.cmpi ne, %convert_element_type3A_61, %cond3A_62 : i32
    scf.if %cond3A_63 {
      %get3A_64 = arith.constant 0 : index
      %get3A_65 = arith.constant 0 : index
      %get3A_66 = vector.load %arg14[%get3A_64, %get3A_65] : memref<32x128xf32, #tpu.memory_space<vmem>>, vector<32x128xf32>
      %get3A_67 = arith.constant 0 : index
      %get3A_68 = arith.constant 0 : index
      %get3A_69 = vector.load %arg15[%get3A_67, %get3A_68] : memref<32x128xf32, #tpu.memory_space<vmem>>, vector<32x128xf32>
      %max3A = arith.constant 1.000000e+00 : f32
      %max3A_70 = vector.broadcast %max3A : f32 to vector<32x128xf32>
      %max3A_71 = arith.maximumf %get3A_69, %max3A_70 : vector<32x128xf32>
      %div3A = arith.divf %get3A_66, %max3A_71 : vector<32x128xf32>
      %get3A_72 = arith.constant 0 : index
      %get3A_73 = arith.constant 0 : index
      %get3A_74 = vector.load %arg7[%get3A_72, %get3A_73] : memref<128x64xf32, #tpu.memory_space<vmem>>, vector<128x64xf32>
      %dot_general3A_75 = arith.constant dense<0.000000e+00> : vector<32x64xf32>
      %dot_general3A_76 = tpu.matmul %div3A, %get3A_74, %dot_general3A_75 {dimension_numbers = #tpu.dot_dimension_numbers<[1], [0], [0], [1], [0, 0, 1, 1], [], []>, transpose_lhs_hint = false} : vector<32x128xf32>, vector<128x64xf32>, vector<32x64xf32> -> vector<32x64xf32>
      %get3A_77 = arith.constant 0 : index
      %get3A_78 = arith.constant 0 : index
      %get3A_79 = vector.load %arg8[%get3A_77, %get3A_78] : memref<1x64xf32, #tpu.memory_space<vmem>>, vector<1x64xf32>
      %add3A_80 = vector.broadcast %get3A_79 : vector<1x64xf32> to vector<32x64xf32>
      %add3A_81 = arith.addf %dot_general3A_76, %add3A_80 : vector<32x64xf32>
      %ge3A_82 = arith.constant 0.000000e+00 : f32
      %ge3A_83 = vector.broadcast %ge3A_82 : f32 to vector<32x64xf32>
      %ge3A_84 = arith.cmpf oge, %add3A_81, %ge3A_83 : vector<32x64xf32>
      %mul3A_85 = arith.constant 0.00999999977 : f32
      %mul3A_86 = vector.broadcast %mul3A_85 : f32 to vector<32x64xf32>
      %mul3A_87 = arith.mulf %mul3A_86, %add3A_81 : vector<32x64xf32>
      %select_n3A_88 = arith.select %ge3A_84, %add3A_81, %mul3A_87 : vector<32x64xi1>, vector<32x64xf32>
      %get3A_89 = arith.constant 0 : index
      %get3A_90 = arith.constant 0 : index
      %get3A_91 = vector.load %arg9[%get3A_89, %get3A_90] : memref<64x32xf32, #tpu.memory_space<vmem>>, vector<64x32xf32>
      %dot_general3A_92 = arith.constant dense<0.000000e+00> : vector<32x32xf32>
      %dot_general3A_93 = tpu.matmul %select_n3A_88, %get3A_91, %dot_general3A_92 {dimension_numbers = #tpu.dot_dimension_numbers<[1], [0], [0], [1], [0, 0, 1, 1], [], []>, transpose_lhs_hint = false} : vector<32x64xf32>, vector<64x32xf32>, vector<32x32xf32> -> vector<32x32xf32>
      %get3A_94 = arith.constant 0 : index
      %get3A_95 = arith.constant 0 : index
      %get3A_96 = vector.load %arg10[%get3A_94, %get3A_95] : memref<1x32xf32, #tpu.memory_space<vmem>>, vector<1x32xf32>
      %add3A_97 = vector.broadcast %get3A_96 : vector<1x32xf32> to vector<32x32xf32>
      %add3A_98 = arith.addf %dot_general3A_93, %add3A_97 : vector<32x32xf32>
      %ge3A_99 = arith.constant 0.000000e+00 : f32
      %ge3A_100 = vector.broadcast %ge3A_99 : f32 to vector<32x32xf32>
      %ge3A_101 = arith.cmpf oge, %add3A_98, %ge3A_100 : vector<32x32xf32>
      %mul3A_102 = arith.constant 0.00999999977 : f32
      %mul3A_103 = vector.broadcast %mul3A_102 : f32 to vector<32x32xf32>
      %mul3A_104 = arith.mulf %mul3A_103, %add3A_98 : vector<32x32xf32>
      %select_n3A_105 = arith.select %ge3A_101, %add3A_98, %mul3A_104 : vector<32x32xi1>, vector<32x32xf32>
      %get3A_106 = arith.constant 0 : index
      %get3A_107 = arith.constant 0 : index
      %get3A_108 = vector.load %arg11[%get3A_106, %get3A_107] : memref<32x1xf32, #tpu.memory_space<vmem>>, vector<32x1xf32>
      %dot_general3A_109 = arith.constant dense<0.000000e+00> : vector<32x1xf32>
      %dot_general3A_110 = tpu.matmul %select_n3A_105, %get3A_108, %dot_general3A_109 {dimension_numbers = #tpu.dot_dimension_numbers<[1], [0], [0], [1], [0, 0, 1, 1], [], []>, transpose_lhs_hint = false} : vector<32x32xf32>, vector<32x1xf32>, vector<32x1xf32> -> vector<32x1xf32>
      %get3A_111 = arith.constant 0 : index
      %get3A_112 = arith.constant 0 : index
      %get3A_113 = vector.load %arg12[%get3A_111, %get3A_112] : memref<1x1xf32, #tpu.memory_space<vmem>>, vector<1x1xf32>
      %add3A_114 = vector.broadcast %get3A_113 : vector<1x1xf32> to vector<32x1xf32>
      %add3A_115 = arith.addf %dot_general3A_110, %add3A_114 : vector<32x1xf32>
      %swap3A_116 = arith.constant 0 : index
      %swap3A_117 = arith.constant 0 : index
      %swap3A_118 = vector.load %arg13[%swap3A_116, %swap3A_117] : memref<32x1xf32, #tpu.memory_space<vmem>>, vector<32x1xf32>
      tpu.vector_store %arg13[%swap3A_116, %swap3A_117], %add3A_115 {strides = array<i32>} : memref<32x1xf32, #tpu.memory_space<vmem>>, vector<32x1xf32>,
    } else {
    }
    return
  }
  func.func @transform_0(%arg0: i32) -> (i32, i32, i32) {
    %c0_i32 = arith.constant 0 : i32
    %c0_i32_0 = arith.constant 0 : i32
    %c0_i32_1 = arith.constant 0 : i32
    return %c0_i32, %arg0, %c0_i32_0 : i32, i32, i32
  }
  func.func @transform_1(%arg0: i32) -> (i32, i32, i32) {
    %c1_i32 = arith.constant 1 : i32
    %c0_i32 = arith.constant 0 : i32
    %c0_i32_0 = arith.constant 0 : i32
    return %c1_i32, %arg0, %c0_i32 : i32, i32, i32
  }
  func.func @transform_2(%arg0: i32) -> (i32, i32) {
    %c0_i32 = arith.constant 0 : i32
    %c0_i32_0 = arith.constant 0 : i32
    return %arg0, %c0_i32 : i32, i32
  }
  func.func @transform_3(%arg0: i32) -> (i32, i32) {
    %c0_i32 = arith.constant 0 : i32
    %c0_i32_0 = arith.constant 0 : i32
    return %arg0, %c0_i32 : i32, i32
  }
  func.func @transform_4(%arg0: i32) -> (i32, i32) {
    %c0_i32 = arith.constant 0 : i32
    %c0_i32_0 = arith.constant 0 : i32
    %c0_i32_1 = arith.constant 0 : i32
    return %c0_i32, %c0_i32_0 : i32, i32
  }
  func.func @transform_5(%arg0: i32) -> (i32, i32, i32) {
    %c0_i32 = arith.constant 0 : i32
    %c0_i32_0 = arith.constant 0 : i32
    %c0_i32_1 = arith.constant 0 : i32
    return %arg0, %c0_i32, %c0_i32_0 : i32, i32, i32
  }
  func.func @transform_6(%arg0: i32) -> (i32, i32) {
    %c0_i32 = arith.constant 0 : i32
    %c0_i32_0 = arith.constant 0 : i32
    %c0_i32_1 = arith.constant 0 : i32
    return %c0_i32, %c0_i32_0 : i32, i32
  }
  func.func @transform_7(%arg0: i32) -> (i32, i32) {
    %c0_i32 = arith.constant 0 : i32
    %c0_i32_0 = arith.constant 0 : i32
    %c0_i32_1 = arith.constant 0 : i32
    return %c0_i32, %c0_i32_0 : i32, i32
  }
  func.func @transform_8(%arg0: i32) -> (i32, i32) {
    %c0_i32 = arith.constant 0 : i32
    %c0_i32_0 = arith.constant 0 : i32
    %c0_i32_1 = arith.constant 0 : i32
    return %c0_i32, %c0_i32_0 : i32, i32
  }
  func.func @transform_9(%arg0: i32) -> (i32, i32) {
    %c0_i32 = arith.constant 0 : i32
    %c0_i32_0 = arith.constant 0 : i32
    %c0_i32_1 = arith.constant 0 : i32
    return %c0_i32, %c0_i32_0 : i32, i32
  }
  func.func @transform_10(%arg0: i32) -> (i32, i32) {
    %c0_i32 = arith.constant 0 : i32
    %c0_i32_0 = arith.constant 0 : i32
    %c0_i32_1 = arith.constant 0 : i32
    return %c0_i32, %c0_i32_0 : i32, i32
  }
  func.func @transform_11(%arg0: i32) -> (i32, i32) {
    %c0_i32 = arith.constant 0 : i32
    %c0_i32_0 = arith.constant 0 : i32
    %c0_i32_1 = arith.constant 0 : i32
    return %c0_i32, %c0_i32_0 : i32, i32
  }
  func.func @transform_12(%arg0: i32) -> (i32, i32) {
    %c0_i32 = arith.constant 0 : i32
    %c0_i32_0 = arith.constant 0 : i32
    %c0_i32_1 = arith.constant 0 : i32
    return %c0_i32, %c0_i32_0 : i32, i32
  }
}

</mosaic_0001>

<sc_bundles>
// kernel: kernel.12.cloned.1.call-start
scs
__scs_entry_jumppad:
0x0: {  	(pc) =	sbr.rel $0x88, $3  }
0x1: {  	(tag) =	ssettag $0x0;
	lr =	simm.s32 $0x1  }
0x2: {  	[smem:$0x3F94] =	sst lr;
	_ =	strace $0xD0000000  }
0x3: {  	_ = 	snop  }
0x4: {  	_ = 	snop  }
0x5: {  	_ = 	snop  }
0x6: {  	_ = 	snop  }
0x7: {  	_ = 	snop  }
__scs_overlays_trampoline_lowered:
0x8: {  	[smem:$0x3FA3] =	sst s0  }
0x9: {  	[smem:$0x3FA4] =	sst s1  }
0xa: {  	[smem:$0x3FA5] =	sst s2  }
0xb: {  	[smem:$0x3FA6] =	sst s3  }
0xc: {  	[smem:$0x3FA7] =	sst s4  }
0xd: {  	[smem:$0x3FA8] =	sst s5  }
0xe: {  	[smem:$0x3FA9] =	sst s6  }
0xf: {  	[smem:$0x3FAA] =	sst s7  }
0x10: {  	[smem:$0x3FAB] =	sst s8  }
0x11: {  	[smem:$0x3FAC] =	sst s9;
	s0 =	simm.s32 @!p0 $0x0  }
0x12: {  	s1 =	sld [smem:$0x3F92];
	s0 =	simm.s32 @p0 $0x1  }
0x13: {  	[smem:$0x3FAD] =	sst s0;
	s0 =	simm.s32 @!p1 $0x0  }
0x14: {  	s2 =	sld [smem:$0x3F91];
	s0 =	simm.s32 @p1 $0x1  }
0x15: {  	[smem:$0x3FAE] =	sst s0;
	s0 =	simm.s32 @!p2 $0x0  }
0x16: {  	s3 =	sld [smem:$0x3FDB];
	s0 =	simm.s32 @p2 $0x1  }
0x17: {  	s4 =	simm.s32 $0x1BF5;
	[smem:$0x3FB0] =	sst s0  }
0x18: {  	s0 =	sld [smem:$0x3F93];
	_ =	swait.ge [sflag:s4], $0x0  }
0x19: {  	s7 =	sld [smem:$0x3F94]  }
0x1a: {  	s8 =	sadd.s32 $0xFFFFE003, lr  }
0x1b: {  	s9 =	sadd.s32 $0xFFFFFEF7, lr;
	s5 =	simm.s32 $0xFFFFFFFF;
	p2 =	slt.u32 s8, $0xFFFFF086  }
0x1c: {  	p1 =	slt.u32 s9, $0xF7A;
	s5 =	simm.s32 @!p2 $0x0  }
0x1d: {  	s5 =	simm.s32 @p1 $0x1;
	p0 =	seq.s32 s7, s2  }
0x1e: {  	s7 =	smul.u32 @!p0 $0xF7A, s2;
	p2 =	seq.s32 @!p0 s5, $0x0  }
0x1f: {  	s9 =	smul.u32 $0xF7A, s1;
	s8 =	simm.s32 @!p0 $0x1BF5;
	p2 =	por !p2, p0  }
0x20: {  	[sflag:s8] =	ssyncset.s32 @!p0 $0xFFFFF086;
	s6 =	sadd.s32 @!p0 s3, s7;
	s7 =	simm.s32 @!p0 $0x108  }
0x21: {  	s3 =	sadd.s32 s3, s9;
	s6 =	sadd.s32 @!p0 $0x88, s6;
	s7 =	simm.s32 @p2 $0x1082  }
0x22: {  	[simem:s7], [sflag:s8] =	dma.local @!p0 [hbm:s6], $0xF7A  }
0x23: {  	s9 =	sor.u32 $0xD0000000, s2;
	s6 =	simm.s32 $0x108;
	_ =	swait.ge @!p0 [sflag:s8], $0x0  }
0x24: {  	s3 =	sadd.s32 $0x88, s3;
	s6 =	simm.s32 @!p1 $0x1082;
	[sflag:s4] =	ssyncset.s32 $0xFFFFF086  }
0x25: {  	[simem:s6], [sflag:s4] =	dma.local [hbm:s3], $0xF7A  }
0x26: {  	[smem:$0x3F94] =	sst s1;
	(tag) =	ssettag s2;
	_ =	strace s9  }
0x27: {  	s1 =	sld [smem:$0x3FA4]  }
0x28: {  	s2 =	sld [smem:$0x3FA5]  }
0x29: {  	s4 =	sld [smem:$0x3FA7]  }
0x2a: {  	p0 =	seq.s32 s5, $0x0;
	s5 =	sld [smem:$0x3FA8]  }
0x2b: {  	s6 =	sld [smem:$0x3FA9]  }
0x2c: {  	s7 =	sld [smem:$0x3FAA]  }
0x2d: {  	s3 =	simm.s32 $0x108;
	s8 =	sld [smem:$0x3FAB]  }
0x2e: {  	s3 =	simm.s32 @!p0 $0x1082;
	s9 =	sld [smem:$0x3FAC]  }
0x2f: {  	lr =	sadd.s32 s0, s3;
	s0 =	sld [smem:$0x3FA3]  }
0x30: {  	s3 =	sld [smem:$0x3FA6]  }
0x31: {  	[smem:$0x3FAF] =	sst s10  }
0x32: {  	s10 =	sld [smem:$0x3FAD];
	_ =	sdelay $0x3  }
0x33: {  	p0 =	seq.s32 s10, $0x1;
	s10 =	sld [smem:$0x3FAF];
	_ =	sdelay $0x3  }
0x34: {  	[smem:$0x3FAF] =	sst s10  }
0x35: {  	s10 =	sld [smem:$0x3FAE];
	_ =	sdelay $0x3  }
0x36: {  	p1 =	seq.s32 s10, $0x1;
	s10 =	sld [smem:$0x3FAF];
	_ =	sdelay $0x3  }
0x37: {  	[smem:$0x3FAF] =	sst s10  }
0x38: {  	s10 =	sld [smem:$0x3FB0]  }
0x39: {  	_ = 	snop;
	(pc) =	sbr.ind lr, $3  }
0x3a: {  	_ = 	snop  }
0x3b: {  	_ = 	snop  }
0x3c: {  	p2 =	seq.s32 s10, $0x1;
	s10 =	sld [smem:$0x3FAF]  }
0x3d: {  	_ =	shalt  }
0x3e: {  	_ =	shalt  }
0x3f: {  	_ =	shalt  }
0x40: {  	_ =	shalt  }
0x41: {  	_ =	shalt  }
0x42: {  	_ =	shalt  }
0x43: {  	_ =	shalt  }
0x44: {  	_ =	shalt  }
0x45: {  	_ =	shalt  }
0x46: {  	_ =	shalt  }
0x47: {  	_ =	shalt  }
0x48: {  	_ =	shalt  }
0x49: {  	_ =	shalt  }
0x4a: {  	_ =	shalt  }
0x4b: {  	_ =	shalt  }
0x4c: {  	_ =	shalt  }
0x4d: {  	_ =	shalt  }
0x4e: {  	_ =	shalt  }
0x4f: {  	_ =	shalt  }
0x50: {  	_ =	shalt  }
0x51: {  	_ =	shalt  }
0x52: {  	_ =	shalt  }
0x53: {  	_ =	shalt  }
0x54: {  	_ =	shalt  }
0x55: {  	_ =	shalt  }
0x56: {  	_ =	shalt  }
0x57: {  	_ =	shalt  }
0x58: {  	_ =	shalt  }
0x59: {  	_ =	shalt  }
0x5a: {  	_ =	shalt  }
0x5b: {  	_ =	shalt  }
0x5c: {  	_ =	shalt  }
0x5d: {  	_ =	shalt  }
0x5e: {  	_ =	shalt  }
0x5f: {  	_ =	shalt  }
0x60: {  	_ =	shalt  }
0x61: {  	_ =	shalt  }
0x62: {  	_ =	shalt  }
0x63: {  	_ =	shalt  }
0x64: {  	_ =	shalt  }
0x65: {  	_ =	shalt  }
0x66: {  	_ =	shalt  }
0x67: {  	_ =	shalt  }
0x68: {  	_ =	shalt  }
0x69: {  	_ =	shalt  }
0x6a: {  	_ =	shalt  }
0x6b: {  	_ =	shalt  }
0x6c: {  	_ =	shalt  }
0x6d: {  	_ =	shalt  }
0x6e: {  	_ =	shalt  }
0x6f: {  	_ =	shalt  }
0x70: {  	_ =	shalt  }
0x71: {  	_ =	shalt  }
0x72: {  	_ =	shalt  }
0x73: {  	_ =	shalt  }
0x74: {  	_ =	shalt  }
0x75: {  	_ =	shalt  }
0x76: {  	_ =	shalt  }
0x77: {  	_ =	shalt  }
0x78: {  	_ =	shalt  }
0x79: {  	_ =	shalt  }
0x7a: {  	_ =	shalt  }
0x7b: {  	_ =	shalt  }
0x7c: {  	_ =	shalt  }
0x7d: {  	_ =	shalt  }
0x7e: {  	_ =	shalt  }
0x7f: {  	_ =	shalt  }
0x80: {  	_ =	shalt  }
0x81: {  	_ =	shalt  }
0x82: {  	_ =	shalt  }
0x83: {  	_ =	shalt  }
0x84: {  	_ =	shalt  }
0x85: {  	_ =	shalt  }
0x86: {  	_ =	shalt  }
0x87: {  	_ =	shalt  }
.Lfunc_end0:
.L_simem_size_0:
called_computation.1_lowered:
.L_overlay_start_0:
0x88: {  	s2 =	sld [smem:$0x3FD9]  }
0x89: {  	s3 =	sld [smem:$0x3FFE];
	_ =	sdelay $0x1  }
0x8a: {  	s1 =	srdreg.scid  }
0x8b: {  	s0 =	sand.u32 $0x1, s1  }
0x8c: {  	s16 =	sshll.u32 s0, $0xA;
	s2 =	sadd.s32 s3, s2  }
0x8d: {  	s2 =	sadd.s32 s2, s16  }
0x8e: {  	[smem:$0x3FBB] =	sst s2  }
0x8f: {  	_ = 	snop  }
0x90: {  	(tm) =	ssettm $0x1  }
0x91: {  	s17 =	sld [smem:$0x3FFB];
	_ =	sdelay $0x3  }
0x92: {  	_ =	strace s17  }
0x93: {  	s2 =	sld [smem:$0x3FFC];
	_ =	sdelay $0x3  }
0x94: {  	_ =	strace s2  }
0x95: {  	s2 =	sld [smem:$0x3FFD];
	_ =	sdelay $0x3  }
0x96: {  	_ =	strace s2  }
0x97: {  	_ =	strace $0x8FFFFFFF  }
0x98: {  	s18 =	sld [smem:$0x3FDB];
	_ =	sdelay $0x1  }
0x99: {  	s19 =	simm.s32 $_scs_section_size  }
0x9a: {  	s4 =	simm.s32 $_size__tile_overlayer_lowered;
	s5 =	simm.s32 $_tile_overlayer_lowered  }
0x9b: {  	s22 =	simm.s32 $0x1BFF;
	s21 =	sshll.u32 s5, $0x1;
	s2 =	sadd.s32 s19, s18  }
0x9c: {  	s6 =	simm.s32 $0x0;
	s20 =	sshll.u32 s4, $0x1;
	s4 =	sadd.s32 s21, s2  }
0x9d: {  	[timem:s6], [sflag:s22] =	dma.local [hbm:s4], s20  }
0x9e: {  	_ =	swait.ge [sflag:s22], s20  }
0x9f: {  	s3 =	ssub.s32 $0x0, s20;
	[sflag:s22] =	ssyncset.done $0x0  }
0xa0: {  	[sflag:s22] =	ssyncadd.s32 s3;
	_ =	sdelay $0x1  }
0xa1: {  	s23 =	simm.s32 $0x1B8B  }
0xa2: {  	_ =	swait.ge [sflag:s23], $0x1  }
0xa3: {  	[sflag:s23] =	ssyncset.done $0x0  }
0xa4: {  	s25 =	simm.s32 $0x1B8E;
	s24 =	sld [smem:$0x3FFE];
	[sflag:s23] =	ssyncadd.s32 $0xFFFFFFFF  }
0xa5: {  	s26 =	simm.s32 $execute0_lowered;
	[smem:$0x3FD2] =	sst s25  }
0xa6: {  	s4 =	sshll.u32 s26, $0x1;
	_ =	strace $0x80000049;
	[dreg:$0x1] =	wrdreg $0xFFFFFFFF  }
0xa7: {  	s28 =	simm.s32 $_size_execute0_lowered;
	s2 =	sadd.s32 s2, s4;
	[dreg:$0x0] =	wrdreg $0x0  }
0xa8: {  	s4 =	sshll.u32 s28, $0x1;
	[dreg:$0x2] =	wrdreg s2  }
0xa9: {  	[dreg:$0x3] =	wrdreg s4  }
0xaa: {  	[dreg:$0x4] =	wrdreg $0xC0  }
0xab: {  	_ =	task [dreg:s6], $0x5FFFF  }
0xac: {  	[dreg:$0x1] =	wrdreg $0xFFFFFFFF  }
0xad: {  	[dreg:$0x0] =	wrdreg $0x60  }
0xae: {  	[dreg:$0x2] =	wrdreg s24  }
0xaf: {  	[dreg:$0x3] =	wrdreg $0xC6200  }
0xb0: {  	[dreg:$0x4] =	wrdreg $0x9  }
0xb1: {  	_ =	task.clear_ibuf [dreg:s6], $0x5FFFF;
	_ =	strace $0x90000049  }
0xb2: {  	s29 =	simm.s32 $0x9;
	_ =	strace $0x8000004B  }
0xb3: {  	_ =	swait.ge [sflag:s29], $0x1  }
0xb4: {  	[sflag:s29] =	ssyncadd.s32 $0xFFFFFFFF  }
0xb5: {  	_ =	strace $0x9000004B  }
0xb6: {  	_ =	sfence  }
0xb7: {  	s30 =	sld [smem:$0x0];
	_ =	sdelay $0x2  }
0xb8: {  	s31 =	sshll.u32 s1, $0xD;
	s1 =	sshrl.u32 s1, $0x2  }
0xb9: {  	s3 =	sand.u32 $0x4000, s31;
	s1 =	sadd.s32 s1, s30  }
0xba: {  	s0 =	sor.u32 s3, s0;
	s1 =	sshll.u32 s1, $0x11  }
0xbb: {  	s0 =	sor.u32 s1, s0  }
0xbc: {  	s0 =	sadd.s32 $0x8F2B, s0  }
0xbd: {  	[sflag:s0] =	ssyncadd.remote.s32 $0x1  }
0xbe: {  	_ =	sfence.sel $0xFFFF  }
0xbf: {  	[dreg:$0x0] =	wrdreg $0xFFFFFFFF;
	(pc) =	sbr.abs _section_cstart, $3  }
0xc0: {  	[dreg:$0x1] =	wrdreg $0xFFFFFFFF  }
0xc1: {  	_ =	task.clear_ibuf [dreg:s6], $0x2FFFF;
	_ =	strace $0x9FFFFFFF  }
0xc2: {  	(tm) =	ssettm $0x7FFFFFFF  }
0xc3: {  	_ =	shalt  }
tec
execute0_lowered:
.L_overlay_start_1:
0x0: {  	(tag) =	ssettag $0x1  }
0x1: {  	s0 =	rddreg [dreg:$0x0]  }
0x2: {  	s1 =	rddreg [dreg:$0x1]  }
0x3: {  	s2 =	srdreg.scid;
	s3 =	simm.s32 $0x0;
	s8 =	stileid.u32  }
0x4: {  	s9 =	simm.s32 $0x5;
	s10 =	simm.s32 $0x50;
	s11 =	simm.s32 $0x4E20  }
0x5: {  	s12 =	simm.s32 $0x7620;
	s2 =	sand.u32 $0x1, s2;
	s6 =	smul.u32 $0x13880, s8  }
0x6: {  	[smem:$0x7FF] =	sst s3;
	s5 =	smul.u32 $0x138800, s2;
	s4 =	sshll.u32 s2, $0x4  }
0x7: {  	_ =	strace $0x8000004A;
	s2 =	ssub.s32 $0x2, s2;
	s7 =	sor.u32 s8, s4  }
0x8: {  	s4 =	sadd.s32 $0x16600, s0;
	s13 =	sshrl.u32 s2, $0x1;
	s7 =	smul.u32 $0x4E2, s7  }
0x9: {  	s8 =	smul.u32 $0x4E200, s8;
	s5 =	sadd.s32 s6, s5;
	s2 =	ssub.s32 s2, s13  }
0xa: {  	s5 =	sshrl.u32 s5, $0x3;
	s2 =	smax.u32 s2, $0x1;
	s7 =	sadd.s32 s7, s0  }
0xb: {  	s15 =	sshrl.u32 s8, $0x2;
	[dreg:$0x6] =	wrdreg s2;
	s14 =	sadd.s32 $0x2A00, s7  }
0xc: {  	s0 =	sadd.s32 s5, s0;
	s7 =	sadd.s32 $0xC800, s7;
	[dreg:$0x3] =	wrdreg s14  }
0xd: {  	s8 =	sadd.s32 s15, s1;
	s0 =	sadd.s32 $0x3D800, s0;
	[dreg:$0x4] =	wrdreg s7  }
0xe: {  	s16 =	sadd.s32 s6, s1;
	s17 =	sadd.s32 $0xC80, s8;
	[dreg:$0x5] =	wrdreg s0  }
0xf: {  	s13 =	simm.s32 $0x1;
	s18 =	sadd.s32 $0x1900, s8;
	[dreg:$0x7] =	wrdreg s17  }
0x10: {  	s15 =	simm.s32 $0x3;
	s19 =	sadd.s32 $0x2580, s8;
	[dreg:$0x8] =	wrdreg s18  }
0x11: {  	s20 =	sadd.s32 $0x3200, s8;
	s21 =	sadd.s32 $0x3E80, s8;
	[dreg:$0x9] =	wrdreg s19  }
0x12: {  	s22 =	sadd.s32 $0x4B00, s8;
	s23 =	sadd.s32 $0x5780, s8;
	[dreg:$0xa] =	wrdreg s20  }
0x13: {  	s24 =	sadd.s32 $0x6400, s8;
	s25 =	sadd.s32 $0x7080, s8;
	[dreg:$0xb] =	wrdreg s21  }
0x14: {  	s26 =	sadd.s32 $0x7D00, s8;
	s28 =	sadd.s32 $0xD480, s8;
	[dreg:$0xc] =	wrdreg s22  }
0x15: {  	s29 =	sadd.s32 $0xE100, s8;
	s30 =	sadd.s32 $0xED80, s8;
	[dreg:$0xd] =	wrdreg s23  }
0x16: {  	s31 =	sadd.s32 $0xFA00, s8;
	s2 =	sadd.s32 $0x11300, s8;
	[dreg:$0xe] =	wrdreg s24  }
0x17: {  	s5 =	sadd.s32 $0x11F80, s8;
	s6 =	sadd.s32 $0x12C00, s8;
	[dreg:$0xf] =	wrdreg s25  }
0x18: {  	[dreg:$0x10] =	wrdreg s26;
	s20 =	sadd.s32 $0x8980, s8;
	s21 =	sadd.s32 $0x9600, s8  }
0x19: {  	s22 =	sadd.s32 $0xA280, s8;
	s23 =	sadd.s32 $0xAF00, s8;
	s24 =	sadd.s32 $0xBB80, s8  }
0x1a: {  	s25 =	sshrl.u32 s16, $0x3;
	s26 =	sadd.s32 $0xC800, s8;
	s0 =	sadd.s32 $0x10680, s8  }
0x1b: {  	v0 =	vimm.f32 $0.0e+00;
	s7 =	simm.s32 $0x9E20;
	s14 =	simm.s32 $0x2;
	s16 =	simm.s32 $0x4  }
.LBB2_1:
0x1c: {  	s17 =	simm.s32 $0x0;
	s18 =	simm.s32 $0x200  }
.LBB2_2:
0x1d: {  	p0 =	sne.s32 s18, $0x3000;
	[tilespmem:s17+$0x9E90] =	vst v0  }
0x1e: {  	[tilespmem:s17+$0x9E20] =	vst v0  }
0x1f: {  	[tilespmem:s17+$0x9E30] =	vst v0  }
.Ltmp0:
0x20: {  	[tilespmem:s17+$0x9E40] =	vst v0;
	(pc) =	sbr.rel @p0 .LBB2_2-.Ltmp0, $4  }
0x21: {  	[tilespmem:s17+$0x9E50] =	vst v0  }
0x22: {  	[tilespmem:s17+$0x9E60] =	vst v0  }
0x23: {  	[tilespmem:s17+$0x9E70] =	vst v0  }
0x24: {  	[tilespmem:s17+$0x9E80] =	vst v0;
	s17 =	sshra.s32 s18, $0x2;
	s18 =	sadd.s32 $0x200, s18  }
0x25: {  	[tilespmem:s17+$0x9E90] =	vst v0  }
0x26: {  	[tilespmem:s17+$0x9E20] =	vst v0  }
0x27: {  	[tilespmem:s17+$0x9E30] =	vst v0  }
0x28: {  	[tilespmem:s17+$0x9E40] =	vst v0  }
0x29: {  	[tilespmem:s17+$0x9E50] =	vst v0  }
0x2a: {  	[tilespmem:s17+$0x9E60] =	vst v0  }
0x2b: {  	[tilespmem:s17+$0x9E70] =	vst v0  }
0x2c: {  	[tilespmem:s17+$0x9E80] =	vst v0  }
0x2d: {  	[spmem:s8] =	stream.linear.scatter [tilespmem:s7], [sflag:$0x1], $0xC80, $0x38;
	[tilespmem:$0x1FEA0] =	vst v63  }
0x2e: {  	s18 =	rddreg [dreg:$0x7]  }
0x2f: {  	[spmem:s18] =	stream.linear.scatter [tilespmem:s7], [sflag:$0x1], $0xC80, $0x38;
	[tilespmem:$0x1FEA0] =	vst v63  }
0x30: {  	s19 =	rddreg [dreg:$0x8]  }
0x31: {  	[spmem:s19] =	stream.linear.scatter [tilespmem:s7], [sflag:$0x1], $0xC80, $0x38;
	[tilespmem:$0x1FEA0] =	vst v63  }
0x32: {  	s18 =	rddreg [dreg:$0x9]  }
0x33: {  	[spmem:s18] =	stream.linear.scatter [tilespmem:s7], [sflag:$0x1], $0xC80, $0x38;
	[tilespmem:$0x1FEA0] =	vst v63  }
0x34: {  	s19 =	rddreg [dreg:$0xa]  }
0x35: {  	[spmem:s19] =	stream.linear.scatter [tilespmem:s7], [sflag:$0x1], $0xC80, $0x38;
	[tilespmem:$0x1FEA0] =	vst v63  }
0x36: {  	s18 =	rddreg [dreg:$0xb]  }
0x37: {  	[spmem:s18] =	stream.linear.scatter [tilespmem:s7], [sflag:$0x1], $0xC80, $0x38;
	[tilespmem:$0x1FEA0] =	vst v63  }
0x38: {  	s19 =	rddreg [dreg:$0xc]  }
0x39: {  	[spmem:s19] =	stream.linear.scatter [tilespmem:s7], [sflag:$0x1], $0xC80, $0x38;
	[tilespmem:$0x1FEA0] =	vst v63  }
0x3a: {  	s18 =	rddreg [dreg:$0xd]  }
0x3b: {  	[spmem:s18] =	stream.linear.scatter [tilespmem:s7], [sflag:$0x1], $0xC80, $0x38;
	[tilespmem:$0x1FEA0] =	vst v63  }
0x3c: {  	s19 =	rddreg [dreg:$0xe]  }
0x3d: {  	[spmem:s19] =	stream.linear.scatter [tilespmem:s7], [sflag:$0x1], $0xC80, $0x38;
	[tilespmem:$0x1FEA0] =	vst v63  }
0x3e: {  	s18 =	rddreg [dreg:$0xf]  }
0x3f: {  	[spmem:s18] =	stream.linear.scatter [tilespmem:s7], [sflag:$0x1], $0xC80, $0x38;
	[tilespmem:$0x1FEA0] =	vst v63  }
0x40: {  	s19 =	rddreg [dreg:$0x10]  }
0x41: {  	[spmem:s19] =	stream.linear.scatter [tilespmem:s7], [sflag:$0x1], $0xC80, $0x38;
	[tilespmem:$0x1FEA0] =	vst v63  }
0x42: {  	_ = 	snop  }
0x43: {  	[spmem:s20] =	stream.linear.scatter [tilespmem:s7], [sflag:$0x1], $0xC80, $0x38;
	[tilespmem:$0x1FEA0] =	vst v63  }
0x44: {  	_ = 	snop  }
0x45: {  	[spmem:s21] =	stream.linear.scatter [tilespmem:s7], [sflag:$0x1], $0xC80, $0x38;
	[tilespmem:$0x1FEA0] =	vst v63  }
0x46: {  	_ = 	snop  }
0x47: {  	[spmem:s22] =	stream.linear.scatter [tilespmem:s7], [sflag:$0x1], $0xC80, $0x38;
	[tilespmem:$0x1FEA0] =	vst v63  }
0x48: {  	_ = 	snop  }
0x49: {  	[spmem:s23] =	stream.linear.scatter [tilespmem:s7], [sflag:$0x1], $0xC80, $0x38;
	[tilespmem:$0x1FEA0] =	vst v63  }
0x4a: {  	_ = 	snop  }
0x4b: {  	[spmem:s24] =	stream.linear.scatter [tilespmem:s7], [sflag:$0x1], $0xC80, $0x38;
	[tilespmem:$0x1FEA0] =	vst v63  }
0x4c: {  	_ = 	snop  }
0x4d: {  	[spmem:s26] =	stream.linear.scatter [tilespmem:s7], [sflag:$0x1], $0xC80, $0x38;
	[tilespmem:$0x1FEA0] =	vst v63  }
0x4e: {  	_ = 	snop  }
0x4f: {  	[spmem:s28] =	stream.linear.scatter [tilespmem:s7], [sflag:$0x1], $0xC80, $0x38;
	[tilespmem:$0x1FEA0] =	vst v63  }
0x50: {  	_ = 	snop  }
0x51: {  	[spmem:s29] =	stream.linear.scatter [tilespmem:s7], [sflag:$0x1], $0xC80, $0x38;
	[tilespmem:$0x1FEA0] =	vst v63  }
0x52: {  	_ = 	snop  }
0x53: {  	[spmem:s30] =	stream.linear.scatter [tilespmem:s7], [sflag:$0x1], $0xC80, $0x38;
	[tilespmem:$0x1FEA0] =	vst v63  }
0x54: {  	_ = 	snop  }
0x55: {  	[spmem:s31] =	stream.linear.scatter [tilespmem:s7], [sflag:$0x1], $0xC80, $0x38;
	[tilespmem:$0x1FEA0] =	vst v63  }
0x56: {  	_ = 	snop  }
0x57: {  	[spmem:s0] =	stream.linear.scatter [tilespmem:s7], [sflag:$0x1], $0xC80, $0x38;
	[tilespmem:$0x1FEA0] =	vst v63  }
0x58: {  	_ = 	snop  }
0x59: {  	[spmem:s2] =	stream.linear.scatter [tilespmem:s7], [sflag:$0x1], $0xC80, $0x38;
	[tilespmem:$0x1FEA0] =	vst v63  }
0x5a: {  	_ = 	snop  }
0x5b: {  	[spmem:s5] =	stream.linear.scatter [tilespmem:s7], [sflag:$0x1], $0xC80, $0x38;
	[tilespmem:$0x1FEA0] =	vst v63  }
0x5c: {  	_ = 	snop  }
0x5d: {  	[spmem:s6] =	stream.linear.scatter [tilespmem:s7], [sflag:$0x1], $0xC80, $0x38;
	[tilespmem:$0x1FEA0] =	vst v63  }
0x5e: {  	s17 =	simm.s32 $0x0;
	s18 =	rddreg [dreg:$0x3]  }
0x5f: {  	[tilespmem:s17], [sflag:$0x5] =	stream.linear.gather [hbm4b:s18+s17], $0x2710, $0x38;
	[tilespmem:$0x1FEA0] =	vst v63  }
0x60: {  	_ =	swait.ge [sflag:s9], $0x2710  }
0x61: {  	[sflag:s9] =	ssyncset.done $0x0  }
0x62: {  	s19 =	simm.s32 $0x2710;
	s18 =	rddreg [dreg:$0x4];
	[sflag:s9] =	ssyncadd.s32 $0xFFFFD8F0  }
0x63: {  	[tilespmem:s19], [sflag:$0x5] =	stream.linear.gather [hbm4b:s18+s17], $0x2710, $0x38;
	[tilespmem:$0x1FEA0] =	vst v63  }
0x64: {  	_ =	swait.ge [sflag:s9], $0x2710  }
0x65: {  	[sflag:s9] =	ssyncset.done $0x0  }
0x66: {  	[sflag:s9] =	ssyncadd.s32 $0xFFFFD8F0  }
0x67: {  	[tilespmem:s11], [sflag:$0x2] =	stream.indirect.gather [hbm4b:s4+s10], $0x80, s17, s10, $0xb8;
	[tilespmem:$0x1FEA0] =	vst v63  }
0x68: {  	_ = 	snop  }
0x69: {  	[tilespmem:s12], [sflag:$0x3] =	stream.indirect.gather [hbm4b:s4+s10], $0x80, s10, s10, $0xb8;
	[tilespmem:$0x1FEA0] =	vst v63  }
0x6a: {  	_ =	swait.ge [sflag:s13], $0xC80  }
0x6b: {  	[sflag:s13] =	ssyncset.done $0x0  }
0x6c: {  	[sflag:s13] =	ssyncadd.s32 $0xFFFFF380  }
0x6d: {  	_ =	swait.ge [sflag:s13], $0xC80  }
0x6e: {  	[sflag:s13] =	ssyncset.done $0x0  }
0x6f: {  	[sflag:s13] =	ssyncadd.s32 $0xFFFFF380  }
0x70: {  	_ =	swait.ge [sflag:s13], $0xC80  }
0x71: {  	[sflag:s13] =	ssyncset.done $0x0  }
0x72: {  	[sflag:s13] =	ssyncadd.s32 $0xFFFFF380  }
0x73: {  	_ =	swait.ge [sflag:s13], $0xC80  }
0x74: {  	[sflag:s13] =	ssyncset.done $0x0  }
0x75: {  	[sflag:s13] =	ssyncadd.s32 $0xFFFFF380  }
0x76: {  	_ =	swait.ge [sflag:s13], $0xC80  }
0x77: {  	[sflag:s13] =	ssyncset.done $0x0  }
0x78: {  	[sflag:s13] =	ssyncadd.s32 $0xFFFFF380  }
0x79: {  	_ =	swait.ge [sflag:s13], $0xC80  }
0x7a: {  	[sflag:s13] =	ssyncset.done $0x0  }
0x7b: {  	[sflag:s13] =	ssyncadd.s32 $0xFFFFF380  }
0x7c: {  	_ =	swait.ge [sflag:s13], $0xC80  }
0x7d: {  	[sflag:s13] =	ssyncset.done $0x0  }
0x7e: {  	[sflag:s13] =	ssyncadd.s32 $0xFFFFF380  }
0x7f: {  	_ =	swait.ge [sflag:s13], $0xC80  }
0x80: {  	[sflag:s13] =	ssyncset.done $0x0  }
0x81: {  	[sflag:s13] =	ssyncadd.s32 $0xFFFFF380  }
0x82: {  	_ =	swait.ge [sflag:s13], $0xC80  }
0x83: {  	[sflag:s13] =	ssyncset.done $0x0  }
0x84: {  	[sflag:s13] =	ssyncadd.s32 $0xFFFFF380  }
0x85: {  	_ =	swait.ge [sflag:s13], $0xC80  }
0x86: {  	[sflag:s13] =	ssyncset.done $0x0  }
0x87: {  	[sflag:s13] =	ssyncadd.s32 $0xFFFFF380  }
0x88: {  	_ =	swait.ge [sflag:s13], $0xC80  }
0x89: {  	[sflag:s13] =	ssyncset.done $0x0  }
0x8a: {  	[sflag:s13] =	ssyncadd.s32 $0xFFFFF380  }
0x8b: {  	_ =	swait.ge [sflag:s13], $0xC80  }
0x8c: {  	[sflag:s13] =	ssyncset.done $0x0  }
0x8d: {  	[sflag:s13] =	ssyncadd.s32 $0xFFFFF380  }
0x8e: {  	_ =	swait.ge [sflag:s13], $0xC80  }
0x8f: {  	[sflag:s13] =	ssyncset.done $0x0  }
0x90: {  	[sflag:s13] =	ssyncadd.s32 $0xFFFFF380  }
0x91: {  	_ =	swait.ge [sflag:s13], $0xC80  }
0x92: {  	[sflag:s13] =	ssyncset.done $0x0  }
0x93: {  	[sflag:s13] =	ssyncadd.s32 $0xFFFFF380  }
0x94: {  	_ =	swait.ge [sflag:s13], $0xC80  }
0x95: {  	[sflag:s13] =	ssyncset.done $0x0  }
0x96: {  	[sflag:s13] =	ssyncadd.s32 $0xFFFFF380  }
0x97: {  	_ =	swait.ge [sflag:s13], $0xC80  }
0x98: {  	[sflag:s13] =	ssyncset.done $0x0  }
0x99: {  	[sflag:s13] =	ssyncadd.s32 $0xFFFFF380  }
0x9a: {  	_ =	swait.ge [sflag:s13], $0xC80  }
0x9b: {  	[sflag:s13] =	ssyncset.done $0x0  }
0x9c: {  	[sflag:s13] =	ssyncadd.s32 $0xFFFFF380  }
0x9d: {  	_ =	swait.ge [sflag:s13], $0xC80  }
0x9e: {  	[sflag:s13] =	ssyncset.done $0x0  }
0x9f: {  	[sflag:s13] =	ssyncadd.s32 $0xFFFFF380  }
0xa0: {  	_ =	swait.ge [sflag:s13], $0xC80  }
0xa1: {  	[sflag:s13] =	ssyncset.done $0x0  }
0xa2: {  	[sflag:s13] =	ssyncadd.s32 $0xFFFFF380  }
0xa3: {  	_ =	swait.ge [sflag:s13], $0xC80  }
0xa4: {  	[sflag:s13] =	ssyncset.done $0x0  }
0xa5: {  	[sflag:s13] =	ssyncadd.s32 $0xFFFFF380  }
0xa6: {  	_ =	swait.ge [sflag:s13], $0xC80  }
0xa7: {  	[sflag:s13] =	ssyncset.done $0x0  }
0xa8: {  	[sflag:s13] =	ssyncadd.s32 $0xFFFFF380  }
0xa9: {  	_ =	swait.ge [sflag:s13], $0xC80  }
0xaa: {  	[sflag:s13] =	ssyncset.done $0x0  }
0xab: {  	[sflag:s13] =	ssyncadd.s32 $0xFFFFF380  }
0xac: {  	_ =	swait.ge [sflag:s13], $0xC80  }
0xad: {  	[sflag:s13] =	ssyncset.done $0x0  }
0xae: {  	[sflag:s13] =	ssyncadd.s32 $0xFFFFF380  }
0xaf: {  	_ =	swait.ge [sflag:s13], $0xC80  }
0xb0: {  	[sflag:s13] =	ssyncset.done $0x0  }
0xb1: {  	[sflag:s13] =	ssyncadd.s32 $0xFFFFF380  }
0xb2: {  	_ =	swait.ge [sflag:s13], $0xC80  }
0xb3: {  	[sflag:s13] =	ssyncset.done $0x0  }
0xb4: {  	[sflag:s13] =	ssyncadd.s32 $0xFFFFF380  }
0xb5: {  	[bflag:$0x0] =	sbarrier.arrive $0xFFFF  }
0xb6: {  	_ =	swait.ge [sflag:s14], $0x2800  }
0xb7: {  	[sflag:s14] =	ssyncset.done $0x0  }
0xb8: {  	s18 =	simm.s32 $0xA0;
	[sflag:s14] =	ssyncadd.s32 $0xFFFFD800  }
0xb9: {  	[tilespmem:s7], [sflag:$0x4] =	stream.indirect.gather [hbm4b:s4+s10], $0x80, s18, s10, $0xb8;
	[tilespmem:$0x1FEA0] =	vst v63  }
0xba: {  	s19 =	simm.s32 $0x2710  }
0xbb: {  	[spmem:s1] =	stream.indirect.scatter.add.f32 [tilespmem:s11], [sflag:$0x5], $0x80, s19, s10, $0xb8;
	[tilespmem:$0x1FEA0] =	vst v63  }
0xbc: {  	_ =	swait.ge [sflag:s9], $0x2800  }
0xbd: {  	[sflag:s9] =	ssyncset.done $0x0  }
0xbe: {  	[sflag:s9] =	ssyncadd.s32 $0xFFFFD800  }
0xbf: {  	_ =	swait.ge [sflag:s15], $0x2800  }
0xc0: {  	[sflag:s15] =	ssyncset.done $0x0  }
0xc1: {  	s18 =	simm.s32 $0xF0;
	[sflag:s15] =	ssyncadd.s32 $0xFFFFD800  }
0xc2: {  	[tilespmem:s11], [sflag:$0x2] =	stream.indirect.gather [hbm4b:s4+s10], $0x80, s18, s10, $0xb8;
	[tilespmem:$0x1FEA0] =	vst v63  }
0xc3: {  	s19 =	simm.s32 $0x2760  }
0xc4: {  	[spmem:s1] =	stream.indirect.scatter.add.f32 [tilespmem:s12], [sflag:$0x5], $0x80, s19, s10, $0xb8;
	[tilespmem:$0x1FEA0] =	vst v63  }
0xc5: {  	_ =	swait.ge [sflag:s9], $0x2800  }
0xc6: {  	[sflag:s9] =	ssyncset.done $0x0  }
0xc7: {  	[sflag:s9] =	ssyncadd.s32 $0xFFFFD800  }
0xc8: {  	_ =	swait.ge [sflag:s16], $0x2800  }
0xc9: {  	[sflag:s16] =	ssyncset.done $0x0  }
0xca: {  	s18 =	simm.s32 $0x140;
	[sflag:s16] =	ssyncadd.s32 $0xFFFFD800  }
0xcb: {  	[tilespmem:s12], [sflag:$0x3] =	stream.indirect.gather [hbm4b:s4+s10], $0x80, s18, s10, $0xb8;
	[tilespmem:$0x1FEA0] =	vst v63  }
0xcc: {  	s19 =	simm.s32 $0x27B0  }
0xcd: {  	[spmem:s1] =	stream.indirect.scatter.add.f32 [tilespmem:s7], [sflag:$0x5], $0x80, s19, s10, $0xb8;
	[tilespmem:$0x1FEA0] =	vst v63  }
0xce: {  	_ =	swait.ge [sflag:s9], $0x2800  }
0xcf: {  	s17 =	simm.s32 $0x3C0;
	[sflag:s9] =	ssyncset.done $0x0  }
.LBB2_4:
0xd0: {  	p0 =	sne.s32 s17, $0x9600  }
0xd1: {  	[sflag:s9] =	ssyncadd.s32 $0xFFFFD800;
	s18 =	smov.u32 s17;
	s17 =	sadd.s32 $0x3C0, s17  }
0xd2: {  	_ = 	snop  }
0xd3: {  	_ =	swait.ge [sflag:s14], $0x2800  }
0xd4: {  	s18 =	sshra.s32 s18, $0x2;
	[sflag:s14] =	ssyncset.done $0x0  }
0xd5: {  	s19 =	sadd.s32 $0xA0, s18;
	[sflag:s14] =	ssyncadd.s32 $0xFFFFD800  }
0xd6: {  	[tilespmem:s7], [sflag:$0x4] =	stream.indirect.gather [hbm4b:s4+s10], $0x80, s19, s10, $0xb8;
	[tilespmem:$0x1FEA0] =	vst v63  }
0xd7: {  	s19 =	sadd.s32 $0x2710, s18  }
0xd8: {  	[spmem:s1] =	stream.indirect.scatter.add.f32 [tilespmem:s11], [sflag:$0x5], $0x80, s19, s10, $0xb8;
	[tilespmem:$0x1FEA0] =	vst v63  }
0xd9: {  	_ =	swait.ge [sflag:s9], $0x2800  }
0xda: {  	[sflag:s9] =	ssyncset.done $0x0  }
0xdb: {  	[sflag:s9] =	ssyncadd.s32 $0xFFFFD800  }
0xdc: {  	_ =	swait.ge [sflag:s15], $0x2800  }
0xdd: {  	[sflag:s15] =	ssyncset.done $0x0  }
0xde: {  	s19 =	sadd.s32 $0xF0, s18;
	[sflag:s15] =	ssyncadd.s32 $0xFFFFD800  }
0xdf: {  	[tilespmem:s11], [sflag:$0x2] =	stream.indirect.gather [hbm4b:s4+s10], $0x80, s19, s10, $0xb8;
	[tilespmem:$0x1FEA0] =	vst v63  }
0xe0: {  	s19 =	sadd.s32 $0x2760, s18  }
0xe1: {  	[spmem:s1] =	stream.indirect.scatter.add.f32 [tilespmem:s12], [sflag:$0x5], $0x80, s19, s10, $0xb8;
	[tilespmem:$0x1FEA0] =	vst v63  }
0xe2: {  	_ =	swait.ge [sflag:s9], $0x2800  }
0xe3: {  	[sflag:s9] =	ssyncset.done $0x0  }
0xe4: {  	[sflag:s9] =	ssyncadd.s32 $0xFFFFD800  }
0xe5: {  	_ =	swait.ge [sflag:s16], $0x2800  }
0xe6: {  	[sflag:s16] =	ssyncset.done $0x0  }
0xe7: {  	s19 =	sadd.s32 $0x140, s18;
	[sflag:s16] =	ssyncadd.s32 $0xFFFFD800  }
0xe8: {  	[tilespmem:s12], [sflag:$0x3] =	stream.indirect.gather [hbm4b:s4+s10], $0x80, s19, s10, $0xb8;
	[tilespmem:$0x1FEA0] =	vst v63  }
.Ltmp1:
0xe9: {  	_ = 	snop;
	(pc) =	sbr.rel @p0 .LBB2_4-.Ltmp1, $4  }
0xea: {  	s18 =	sadd.s32 $0x27B0, s18  }
0xeb: {  	[spmem:s1] =	stream.indirect.scatter.add.f32 [tilespmem:s7], [sflag:$0x5], $0x80, s18, s10, $0xb8;
	[tilespmem:$0x1FEA0] =	vst v63  }
0xec: {  	_ =	swait.ge [sflag:s9], $0x2800  }
0xed: {  	[sflag:s9] =	ssyncset.done $0x0  }
0xee: {  	[sflag:s9] =	ssyncadd.s32 $0xFFFFD800  }
0xef: {  	_ =	swait.ge [sflag:s14], $0x2800  }
0xf0: {  	[sflag:s14] =	ssyncset.done $0x0  }
0xf1: {  	s17 =	simm.s32 $0x4D80;
	[sflag:s14] =	ssyncadd.s32 $0xFFFFD800  }
0xf2: {  	[spmem:s1] =	stream.indirect.scatter.add.f32 [tilespmem:s11], [sflag:$0x5], $0x80, s17, s10, $0xb8;
	[tilespmem:$0x1FEA0] =	vst v63  }
0xf3: {  	_ =	swait.ge [sflag:s9], $0x2800  }
0xf4: {  	[sflag:s9] =	ssyncset.done $0x0  }
0xf5: {  	[sflag:s9] =	ssyncadd.s32 $0xFFFFD800  }
0xf6: {  	_ =	swait.ge [sflag:s15], $0x2800  }
0xf7: {  	[sflag:s15] =	ssyncset.done $0x0  }
0xf8: {  	s19 =	simm.s32 $0x4DD0;
	[sflag:s15] =	ssyncadd.s32 $0xFFFFD800  }
0xf9: {  	[spmem:s1] =	stream.indirect.scatter.add.f32 [tilespmem:s12], [sflag:$0x5], $0x80, s19, s10, $0xb8;
	[tilespmem:$0x1FEA0] =	vst v63  }
0xfa: {  	_ =	swait.ge [sflag:s9], $0x2800  }
0xfb: {  	[sflag:s9] =	ssyncset.done $0x0  }
0xfc: {  	s18 =	stileid.u32;
	[sflag:s9] =	ssyncadd.s32 $0xFFFFD800  }
0xfd: {  	s17 =	sshll.u32 s18, $0x6;
	[bflag:$0x0] =	sbarrier.arrive $0xFFFF  }
0xfe: {  	s17 =	sor.u32 $0x1C05, s17;
	s18 =	rddreg [dreg:$0x5]  }
0xff: {  	[hbm:s18], [sflag:s17] =	dma.local [spmem:s25], $0x2710  }
0x100: {  	_ =	swait.ge [sflag:s9], $0x2710  }
0x101: {  	s3 =	sadd.s32 $0x1, s3;
	s19 =	rddreg [dreg:$0x6]  }
0x102: {  	p0 =	sne.s32 s3, s19  }
.Ltmp2:
0x103: {  	_ = 	snop;
	(pc) =	sbr.rel @p0 .LBB2_1-.Ltmp2, $3  }
0x104: {  	_ =	sdelay $0x1  }
0x105: {  	[sflag:s9] =	ssyncset.done $0x0  }
0x106: {  	[sflag:s9] =	ssyncadd.s32 $0xFFFFD8F0  }
0x107: {  	_ =	sfence.sel $0x180000  }
0x108: {  	[bflag:$0x0] =	sbarrier.arrive $0xFFFF  }
0x109: {  	_ =	strace $0x9000004A  }
0x10a: {  	s0 =	stileid.u32;
	[bflag:$0x2] =	sbarrier.arrive $0xFFFF  }
0x10b: {  	p0 =	sne.s32 s0, $0x0;
	s0 =	rddreg [dreg:$0x2]  }
0x10c: {  	s0 =	sadd.s32 @!p0 $0x100000, s0  }
0x10d: {  	[sflag:s0] =	ssyncadd.tile.s32 @!p0 $0x1;
	_ =	shalt  }
.Lfunc_end2:
_tile_overlayer_lowered:
.L_overlay_start_2:
0x10e: {  	(tag) =	ssettag $0x2  }
0x10f: {  	s0 =	rddreg [dreg:$0x0];
	s2 =	stileid.u32  }
0x110: {  	s1 =	rddreg [dreg:$0x1];
	p0 =	sne.s32 s2, $0x0  }
0x111: {  	s3 =	rddreg [dreg:$0x2];
	[bflag:$0x3] =	sbarrier.arrive $0xFFFF;
	s2 =	simm.s32 @!p0 $0x1C05  }
0x112: {  	[timem:s3], [sflag:s2] =	dma.local @!p0 [hbm:s0], s1  }
0x113: {  	s0 =	simm.s32 @!p0 $0x5  }
0x114: {  	_ =	swait.ge @!p0 [sflag:s0], s1  }
0x115: {  	s1 =	ssub.s32 @!p0 $0x0, s1;
	[sflag:s0] =	ssyncset.done @!p0 $0x0  }
0x116: {  	[sflag:s0] =	ssyncadd.s32 @!p0 s1  }
0x117: {  	[bflag:$0x3] =	sbarrier.arrive $0xFFFF  }
0x118: {  	_ =	shalt  }

// kernel: kernel.15.cloned.1.call-start
scs
__scs_entry_jumppad:
0x0: {  	(pc) =	sbr.rel $0x88, $3  }
0x1: {  	(tag) =	ssettag $0x0;
	lr =	simm.s32 $0x1  }
0x2: {  	[smem:$0x3F94] =	sst lr;
	_ =	strace $0xD0000000  }
0x3: {  	_ = 	snop  }
0x4: {  	_ = 	snop  }
0x5: {  	_ = 	snop  }
0x6: {  	_ = 	snop  }
0x7: {  	_ = 	snop  }
__scs_overlays_trampoline_lowered:
0x8: {  	[smem:$0x3FA3] =	sst s0  }
0x9: {  	[smem:$0x3FA4] =	sst s1  }
0xa: {  	[smem:$0x3FA5] =	sst s2  }
0xb: {  	[smem:$0x3FA6] =	sst s3  }
0xc: {  	[smem:$0x3FA7] =	sst s4  }
0xd: {  	[smem:$0x3FA8] =	sst s5  }
0xe: {  	[smem:$0x3FA9] =	sst s6  }
0xf: {  	[smem:$0x3FAA] =	sst s7  }
0x10: {  	[smem:$0x3FAB] =	sst s8  }
0x11: {  	[smem:$0x3FAC] =	sst s9;
	s0 =	simm.s32 @!p0 $0x0  }
0x12: {  	s1 =	sld [smem:$0x3F92];
	s0 =	simm.s32 @p0 $0x1  }
0x13: {  	[smem:$0x3FAD] =	sst s0;
	s0 =	simm.s32 @!p1 $0x0  }
0x14: {  	s2 =	sld [smem:$0x3F91];
	s0 =	simm.s32 @p1 $0x1  }
0x15: {  	[smem:$0x3FAE] =	sst s0;
	s0 =	simm.s32 @!p2 $0x0  }
0x16: {  	s3 =	sld [smem:$0x3FDB];
	s0 =	simm.s32 @p2 $0x1  }
0x17: {  	s4 =	simm.s32 $0x1BF5;
	[smem:$0x3FB0] =	sst s0  }
0x18: {  	s0 =	sld [smem:$0x3F93];
	_ =	swait.ge [sflag:s4], $0x0  }
0x19: {  	s7 =	sld [smem:$0x3F94]  }
0x1a: {  	s8 =	sadd.s32 $0xFFFFE003, lr  }
0x1b: {  	s9 =	sadd.s32 $0xFFFFFEF7, lr;
	s5 =	simm.s32 $0xFFFFFFFF;
	p2 =	slt.u32 s8, $0xFFFFF086  }
0x1c: {  	p1 =	slt.u32 s9, $0xF7A;
	s5 =	simm.s32 @!p2 $0x0  }
0x1d: {  	s5 =	simm.s32 @p1 $0x1;
	p0 =	seq.s32 s7, s2  }
0x1e: {  	s7 =	smul.u32 @!p0 $0xF7A, s2;
	p2 =	seq.s32 @!p0 s5, $0x0  }
0x1f: {  	s9 =	smul.u32 $0xF7A, s1;
	s8 =	simm.s32 @!p0 $0x1BF5;
	p2 =	por !p2, p0  }
0x20: {  	[sflag:s8] =	ssyncset.s32 @!p0 $0xFFFFF086;
	s6 =	sadd.s32 @!p0 s3, s7;
	s7 =	simm.s32 @!p0 $0x108  }
0x21: {  	s3 =	sadd.s32 s3, s9;
	s6 =	sadd.s32 @!p0 $0x88, s6;
	s7 =	simm.s32 @p2 $0x1082  }
0x22: {  	[simem:s7], [sflag:s8] =	dma.local @!p0 [hbm:s6], $0xF7A  }
0x23: {  	s9 =	sor.u32 $0xD0000000, s2;
	s6 =	simm.s32 $0x108;
	_ =	swait.ge @!p0 [sflag:s8], $0x0  }
0x24: {  	s3 =	sadd.s32 $0x88, s3;
	s6 =	simm.s32 @!p1 $0x1082;
	[sflag:s4] =	ssyncset.s32 $0xFFFFF086  }
0x25: {  	[simem:s6], [sflag:s4] =	dma.local [hbm:s3], $0xF7A  }
0x26: {  	[smem:$0x3F94] =	sst s1;
	(tag) =	ssettag s2;
	_ =	strace s9  }
0x27: {  	s1 =	sld [smem:$0x3FA4]  }
0x28: {  	s2 =	sld [smem:$0x3FA5]  }
0x29: {  	s4 =	sld [smem:$0x3FA7]  }
0x2a: {  	p0 =	seq.s32 s5, $0x0;
	s5 =	sld [smem:$0x3FA8]  }
0x2b: {  	s6 =	sld [smem:$0x3FA9]  }
0x2c: {  	s7 =	sld [smem:$0x3FAA]  }
0x2d: {  	s3 =	simm.s32 $0x108;
	s8 =	sld [smem:$0x3FAB]  }
0x2e: {  	s3 =	simm.s32 @!p0 $0x1082;
	s9 =	sld [smem:$0x3FAC]  }
0x2f: {  	lr =	sadd.s32 s0, s3;
	s0 =	sld [smem:$0x3FA3]  }
0x30: {  	s3 =	sld [smem:$0x3FA6]  }
0x31: {  	[smem:$0x3FAF] =	sst s10  }
0x32: {  	s10 =	sld [smem:$0x3FAD];
	_ =	sdelay $0x3  }
0x33: {  	p0 =	seq.s32 s10, $0x1;
	s10 =	sld [smem:$0x3FAF];
	_ =	sdelay $0x3  }
0x34: {  	[smem:$0x3FAF] =	sst s10  }
0x35: {  	s10 =	sld [smem:$0x3FAE];
	_ =	sdelay $0x3  }
0x36: {  	p1 =	seq.s32 s10, $0x1;
	s10 =	sld [smem:$0x3FAF];
	_ =	sdelay $0x3  }
0x37: {  	[smem:$0x3FAF] =	sst s10  }
0x38: {  	s10 =	sld [smem:$0x3FB0]  }
0x39: {  	_ = 	snop;
	(pc) =	sbr.ind lr, $3  }
0x3a: {  	_ = 	snop  }
0x3b: {  	_ = 	snop  }
0x3c: {  	p2 =	seq.s32 s10, $0x1;
	s10 =	sld [smem:$0x3FAF]  }
0x3d: {  	_ =	shalt  }
0x3e: {  	_ =	shalt  }
0x3f: {  	_ =	shalt  }
0x40: {  	_ =	shalt  }
0x41: {  	_ =	shalt  }
0x42: {  	_ =	shalt  }
0x43: {  	_ =	shalt  }
0x44: {  	_ =	shalt  }
0x45: {  	_ =	shalt  }
0x46: {  	_ =	shalt  }
0x47: {  	_ =	shalt  }
0x48: {  	_ =	shalt  }
0x49: {  	_ =	shalt  }
0x4a: {  	_ =	shalt  }
0x4b: {  	_ =	shalt  }
0x4c: {  	_ =	shalt  }
0x4d: {  	_ =	shalt  }
0x4e: {  	_ =	shalt  }
0x4f: {  	_ =	shalt  }
0x50: {  	_ =	shalt  }
0x51: {  	_ =	shalt  }
0x52: {  	_ =	shalt  }
0x53: {  	_ =	shalt  }
0x54: {  	_ =	shalt  }
0x55: {  	_ =	shalt  }
0x56: {  	_ =	shalt  }
0x57: {  	_ =	shalt  }
0x58: {  	_ =	shalt  }
0x59: {  	_ =	shalt  }
0x5a: {  	_ =	shalt  }
0x5b: {  	_ =	shalt  }
0x5c: {  	_ =	shalt  }
0x5d: {  	_ =	shalt  }
0x5e: {  	_ =	shalt  }
0x5f: {  	_ =	shalt  }
0x60: {  	_ =	shalt  }
0x61: {  	_ =	shalt  }
0x62: {  	_ =	shalt  }
0x63: {  	_ =	shalt  }
0x64: {  	_ =	shalt  }
0x65: {  	_ =	shalt  }
0x66: {  	_ =	shalt  }
0x67: {  	_ =	shalt  }
0x68: {  	_ =	shalt  }
0x69: {  	_ =	shalt  }
0x6a: {  	_ =	shalt  }
0x6b: {  	_ =	shalt  }
0x6c: {  	_ =	shalt  }
0x6d: {  	_ =	shalt  }
0x6e: {  	_ =	shalt  }
0x6f: {  	_ =	shalt  }
0x70: {  	_ =	shalt  }
0x71: {  	_ =	shalt  }
0x72: {  	_ =	shalt  }
0x73: {  	_ =	shalt  }
0x74: {  	_ =	shalt  }
0x75: {  	_ =	shalt  }
0x76: {  	_ =	shalt  }
0x77: {  	_ =	shalt  }
0x78: {  	_ =	shalt  }
0x79: {  	_ =	shalt  }
0x7a: {  	_ =	shalt  }
0x7b: {  	_ =	shalt  }
0x7c: {  	_ =	shalt  }
0x7d: {  	_ =	shalt  }
0x7e: {  	_ =	shalt  }
0x7f: {  	_ =	shalt  }
0x80: {  	_ =	shalt  }
0x81: {  	_ =	shalt  }
0x82: {  	_ =	shalt  }
0x83: {  	_ =	shalt  }
0x84: {  	_ =	shalt  }
0x85: {  	_ =	shalt  }
0x86: {  	_ =	shalt  }
0x87: {  	_ =	shalt  }
.Lfunc_end0:
.L_simem_size_0:
called_computation.2_lowered:
.L_overlay_start_0:
0x88: {  	s2 =	sld [smem:$0x3FD9]  }
0x89: {  	s3 =	sld [smem:$0x3FFE];
	_ =	sdelay $0x1  }
0x8a: {  	s1 =	srdreg.scid  }
0x8b: {  	s0 =	sand.u32 $0x1, s1  }
0x8c: {  	s16 =	sshll.u32 s0, $0xA;
	s2 =	sadd.s32 s3, s2  }
0x8d: {  	s2 =	sadd.s32 s2, s16  }
0x8e: {  	[smem:$0x3FBB] =	sst s2  }
0x8f: {  	_ = 	snop  }
0x90: {  	(tm) =	ssettm $0x1  }
0x91: {  	s17 =	sld [smem:$0x3FFB];
	_ =	sdelay $0x3  }
0x92: {  	_ =	strace s17  }
0x93: {  	s2 =	sld [smem:$0x3FFC];
	_ =	sdelay $0x3  }
0x94: {  	_ =	strace s2  }
0x95: {  	s2 =	sld [smem:$0x3FFD];
	_ =	sdelay $0x3  }
0x96: {  	_ =	strace s2  }
0x97: {  	_ =	strace $0x8FFFFFFF  }
0x98: {  	s18 =	sld [smem:$0x3FDB];
	_ =	sdelay $0x1  }
0x99: {  	s19 =	simm.s32 $_scs_section_size  }
0x9a: {  	s4 =	simm.s32 $_size__tile_overlayer_lowered;
	s5 =	simm.s32 $_tile_overlayer_lowered  }
0x9b: {  	s22 =	simm.s32 $0x1BFF;
	s21 =	sshll.u32 s5, $0x1;
	s2 =	sadd.s32 s19, s18  }
0x9c: {  	s6 =	simm.s32 $0x0;
	s20 =	sshll.u32 s4, $0x1;
	s4 =	sadd.s32 s21, s2  }
0x9d: {  	[timem:s6], [sflag:s22] =	dma.local [hbm:s4], s20  }
0x9e: {  	_ =	swait.ge [sflag:s22], s20  }
0x9f: {  	s3 =	ssub.s32 $0x0, s20;
	[sflag:s22] =	ssyncset.done $0x0  }
0xa0: {  	[sflag:s22] =	ssyncadd.s32 s3;
	_ =	sdelay $0x1  }
0xa1: {  	s23 =	simm.s32 $0x1B8B  }
0xa2: {  	_ =	swait.ge [sflag:s23], $0x1  }
0xa3: {  	[sflag:s23] =	ssyncset.done $0x0  }
0xa4: {  	s25 =	simm.s32 $0x1B8E;
	s24 =	sld [smem:$0x3FFE];
	[sflag:s23] =	ssyncadd.s32 $0xFFFFFFFF  }
0xa5: {  	s26 =	simm.s32 $execute0_lowered;
	[smem:$0x3FD2] =	sst s25  }
0xa6: {  	s4 =	sshll.u32 s26, $0x1;
	_ =	strace $0x8000004C;
	[dreg:$0x1] =	wrdreg $0xFFFFFFFF  }
0xa7: {  	s28 =	simm.s32 $_size_execute0_lowered;
	s2 =	sadd.s32 s2, s4;
	[dreg:$0x0] =	wrdreg $0x0  }
0xa8: {  	s4 =	sshll.u32 s28, $0x1;
	[dreg:$0x2] =	wrdreg s2  }
0xa9: {  	[dreg:$0x3] =	wrdreg s4  }
0xaa: {  	[dreg:$0x4] =	wrdreg $0xC0  }
0xab: {  	_ =	task [dreg:s6], $0x5FFFF  }
0xac: {  	[dreg:$0x1] =	wrdreg $0xFFFFFFFF  }
0xad: {  	[dreg:$0x0] =	wrdreg $0x60  }
0xae: {  	[dreg:$0x2] =	wrdreg s24  }
0xaf: {  	[dreg:$0x3] =	wrdreg $0xC6200  }
0xb0: {  	[dreg:$0x4] =	wrdreg $0x9  }
0xb1: {  	_ =	task.clear_ibuf [dreg:s6], $0x5FFFF;
	_ =	strace $0x9000004C  }
0xb2: {  	s29 =	simm.s32 $0x9;
	_ =	strace $0x8000004E  }
0xb3: {  	_ =	swait.ge [sflag:s29], $0x1  }
0xb4: {  	[sflag:s29] =	ssyncadd.s32 $0xFFFFFFFF  }
0xb5: {  	_ =	strace $0x9000004E  }
0xb6: {  	_ =	sfence  }
0xb7: {  	s30 =	sld [smem:$0x0];
	_ =	sdelay $0x2  }
0xb8: {  	s31 =	sshll.u32 s1, $0xD;
	s1 =	sshrl.u32 s1, $0x2  }
0xb9: {  	s3 =	sand.u32 $0x4000, s31;
	s1 =	sadd.s32 s1, s30  }
0xba: {  	s0 =	sor.u32 s3, s0;
	s1 =	sshll.u32 s1, $0x11  }
0xbb: {  	s0 =	sor.u32 s1, s0  }
0xbc: {  	s0 =	sadd.s32 $0x8F2B, s0  }
0xbd: {  	[sflag:s0] =	ssyncadd.remote.s32 $0x1  }
0xbe: {  	_ =	sfence.sel $0xFFFF  }
0xbf: {  	[dreg:$0x0] =	wrdreg $0xFFFFFFFF;
	(pc) =	sbr.abs _section_cstart, $3  }
0xc0: {  	[dreg:$0x1] =	wrdreg $0xFFFFFFFF  }
0xc1: {  	_ =	task.clear_ibuf [dreg:s6], $0x2FFFF;
	_ =	strace $0x9FFFFFFF  }
0xc2: {  	(tm) =	ssettm $0x7FFFFFFF  }
0xc3: {  	_ =	shalt  }
tec
execute0_lowered:
.L_overlay_start_1:
0x0: {  	(tag) =	ssettag $0x1  }
0x1: {  	s0 =	rddreg [dreg:$0x0]  }
0x2: {  	s1 =	rddreg [dreg:$0x1]  }
0x3: {  	s2 =	srdreg.scid;
	s3 =	simm.s32 $0x0;
	s8 =	stileid.u32  }
0x4: {  	s9 =	simm.s32 $0x5;
	s10 =	simm.s32 $0x50;
	s11 =	simm.s32 $0x4E20  }
0x5: {  	s12 =	simm.s32 $0x7620;
	s2 =	sand.u32 $0x1, s2;
	s6 =	smul.u32 $0x13880, s8  }
0x6: {  	[smem:$0x7FF] =	sst s3;
	s5 =	smul.u32 $0x138800, s2;
	s4 =	sshll.u32 s2, $0x4  }
0x7: {  	_ =	strace $0x8000004D;
	s2 =	ssub.s32 $0x2, s2;
	s7 =	sor.u32 s8, s4  }
0x8: {  	s4 =	sadd.s32 $0x16600, s0;
	s13 =	sshrl.u32 s2, $0x1;
	s7 =	smul.u32 $0x4E2, s7  }
0x9: {  	s8 =	smul.u32 $0x4E200, s8;
	s5 =	sadd.s32 s6, s5;
	s2 =	ssub.s32 s2, s13  }
0xa: {  	s5 =	sshrl.u32 s5, $0x3;
	s2 =	smax.u32 s2, $0x1;
	s7 =	sadd.s32 s7, s0  }
0xb: {  	s15 =	sshrl.u32 s8, $0x2;
	[dreg:$0x6] =	wrdreg s2;
	s14 =	sadd.s32 $0x2A00, s7  }
0xc: {  	s0 =	sadd.s32 s5, s0;
	s7 =	sadd.s32 $0xC800, s7;
	[dreg:$0x3] =	wrdreg s14  }
0xd: {  	s8 =	sadd.s32 s15, s1;
	s0 =	sadd.s32 $0x3D800, s0;
	[dreg:$0x4] =	wrdreg s7  }
0xe: {  	s16 =	sadd.s32 s6, s1;
	s17 =	sadd.s32 $0xC80, s8;
	[dreg:$0x5] =	wrdreg s0  }
0xf: {  	s13 =	simm.s32 $0x1;
	s18 =	sadd.s32 $0x1900, s8;
	[dreg:$0x7] =	wrdreg s17  }
0x10: {  	s15 =	simm.s32 $0x3;
	s19 =	sadd.s32 $0x2580, s8;
	[dreg:$0x8] =	wrdreg s18  }
0x11: {  	s20 =	sadd.s32 $0x3200, s8;
	s21 =	sadd.s32 $0x3E80, s8;
	[dreg:$0x9] =	wrdreg s19  }
0x12: {  	s22 =	sadd.s32 $0x4B00, s8;
	s23 =	sadd.s32 $0x5780, s8;
	[dreg:$0xa] =	wrdreg s20  }
0x13: {  	s24 =	sadd.s32 $0x6400, s8;
	s25 =	sadd.s32 $0x7080, s8;
	[dreg:$0xb] =	wrdreg s21  }
0x14: {  	s26 =	sadd.s32 $0x7D00, s8;
	s28 =	sadd.s32 $0xD480, s8;
	[dreg:$0xc] =	wrdreg s22  }
0x15: {  	s29 =	sadd.s32 $0xE100, s8;
	s30 =	sadd.s32 $0xED80, s8;
	[dreg:$0xd] =	wrdreg s23  }
0x16: {  	s31 =	sadd.s32 $0xFA00, s8;
	s2 =	sadd.s32 $0x11300, s8;
	[dreg:$0xe] =	wrdreg s24  }
0x17: {  	s5 =	sadd.s32 $0x11F80, s8;
	s6 =	sadd.s32 $0x12C00, s8;
	[dreg:$0xf] =	wrdreg s25  }
0x18: {  	[dreg:$0x10] =	wrdreg s26;
	s20 =	sadd.s32 $0x8980, s8;
	s21 =	sadd.s32 $0x9600, s8  }
0x19: {  	s22 =	sadd.s32 $0xA280, s8;
	s23 =	sadd.s32 $0xAF00, s8;
	s24 =	sadd.s32 $0xBB80, s8  }
0x1a: {  	s25 =	sshrl.u32 s16, $0x3;
	s26 =	sadd.s32 $0xC800, s8;
	s0 =	sadd.s32 $0x10680, s8  }
0x1b: {  	v0 =	vimm.f32 $0.0e+00;
	s7 =	simm.s32 $0x9E20;
	s14 =	simm.s32 $0x2;
	s16 =	simm.s32 $0x4  }
.LBB2_1:
0x1c: {  	s17 =	simm.s32 $0x0;
	s18 =	simm.s32 $0x200  }
.LBB2_2:
0x1d: {  	p0 =	sne.s32 s18, $0x3000;
	[tilespmem:s17+$0x9E90] =	vst v0  }
0x1e: {  	[tilespmem:s17+$0x9E20] =	vst v0  }
0x1f: {  	[tilespmem:s17+$0x9E30] =	vst v0  }
.Ltmp0:
0x20: {  	[tilespmem:s17+$0x9E40] =	vst v0;
	(pc) =	sbr.rel @p0 .LBB2_2-.Ltmp0, $4  }
0x21: {  	[tilespmem:s17+$0x9E50] =	vst v0  }
0x22: {  	[tilespmem:s17+$0x9E60] =	vst v0  }
0x23: {  	[tilespmem:s17+$0x9E70] =	vst v0  }
0x24: {  	[tilespmem:s17+$0x9E80] =	vst v0;
	s17 =	sshra.s32 s18, $0x2;
	s18 =	sadd.s32 $0x200, s18  }
0x25: {  	[tilespmem:s17+$0x9E90] =	vst v0  }
0x26: {  	[tilespmem:s17+$0x9E20] =	vst v0  }
0x27: {  	[tilespmem:s17+$0x9E30] =	vst v0  }
0x28: {  	[tilespmem:s17+$0x9E40] =	vst v0  }
0x29: {  	[tilespmem:s17+$0x9E50] =	vst v0  }
0x2a: {  	[tilespmem:s17+$0x9E60] =	vst v0  }
0x2b: {  	[tilespmem:s17+$0x9E70] =	vst v0  }
0x2c: {  	[tilespmem:s17+$0x9E80] =	vst v0  }
0x2d: {  	[spmem:s8] =	stream.linear.scatter [tilespmem:s7], [sflag:$0x1], $0xC80, $0x38;
	[tilespmem:$0x1FEA0] =	vst v63  }
0x2e: {  	s18 =	rddreg [dreg:$0x7]  }
0x2f: {  	[spmem:s18] =	stream.linear.scatter [tilespmem:s7], [sflag:$0x1], $0xC80, $0x38;
	[tilespmem:$0x1FEA0] =	vst v63  }
0x30: {  	s19 =	rddreg [dreg:$0x8]  }
0x31: {  	[spmem:s19] =	stream.linear.scatter [tilespmem:s7], [sflag:$0x1], $0xC80, $0x38;
	[tilespmem:$0x1FEA0] =	vst v63  }
0x32: {  	s18 =	rddreg [dreg:$0x9]  }
0x33: {  	[spmem:s18] =	stream.linear.scatter [tilespmem:s7], [sflag:$0x1], $0xC80, $0x38;
	[tilespmem:$0x1FEA0] =	vst v63  }
0x34: {  	s19 =	rddreg [dreg:$0xa]  }
0x35: {  	[spmem:s19] =	stream.linear.scatter [tilespmem:s7], [sflag:$0x1], $0xC80, $0x38;
	[tilespmem:$0x1FEA0] =	vst v63  }
0x36: {  	s18 =	rddreg [dreg:$0xb]  }
0x37: {  	[spmem:s18] =	stream.linear.scatter [tilespmem:s7], [sflag:$0x1], $0xC80, $0x38;
	[tilespmem:$0x1FEA0] =	vst v63  }
0x38: {  	s19 =	rddreg [dreg:$0xc]  }
0x39: {  	[spmem:s19] =	stream.linear.scatter [tilespmem:s7], [sflag:$0x1], $0xC80, $0x38;
	[tilespmem:$0x1FEA0] =	vst v63  }
0x3a: {  	s18 =	rddreg [dreg:$0xd]  }
0x3b: {  	[spmem:s18] =	stream.linear.scatter [tilespmem:s7], [sflag:$0x1], $0xC80, $0x38;
	[tilespmem:$0x1FEA0] =	vst v63  }
0x3c: {  	s19 =	rddreg [dreg:$0xe]  }
0x3d: {  	[spmem:s19] =	stream.linear.scatter [tilespmem:s7], [sflag:$0x1], $0xC80, $0x38;
	[tilespmem:$0x1FEA0] =	vst v63  }
0x3e: {  	s18 =	rddreg [dreg:$0xf]  }
0x3f: {  	[spmem:s18] =	stream.linear.scatter [tilespmem:s7], [sflag:$0x1], $0xC80, $0x38;
	[tilespmem:$0x1FEA0] =	vst v63  }
0x40: {  	s19 =	rddreg [dreg:$0x10]  }
0x41: {  	[spmem:s19] =	stream.linear.scatter [tilespmem:s7], [sflag:$0x1], $0xC80, $0x38;
	[tilespmem:$0x1FEA0] =	vst v63  }
0x42: {  	_ = 	snop  }
0x43: {  	[spmem:s20] =	stream.linear.scatter [tilespmem:s7], [sflag:$0x1], $0xC80, $0x38;
	[tilespmem:$0x1FEA0] =	vst v63  }
0x44: {  	_ = 	snop  }
0x45: {  	[spmem:s21] =	stream.linear.scatter [tilespmem:s7], [sflag:$0x1], $0xC80, $0x38;
	[tilespmem:$0x1FEA0] =	vst v63  }
0x46: {  	_ = 	snop  }
0x47: {  	[spmem:s22] =	stream.linear.scatter [tilespmem:s7], [sflag:$0x1], $0xC80, $0x38;
	[tilespmem:$0x1FEA0] =	vst v63  }
0x48: {  	_ = 	snop  }
0x49: {  	[spmem:s23] =	stream.linear.scatter [tilespmem:s7], [sflag:$0x1], $0xC80, $0x38;
	[tilespmem:$0x1FEA0] =	vst v63  }
0x4a: {  	_ = 	snop  }
0x4b: {  	[spmem:s24] =	stream.linear.scatter [tilespmem:s7], [sflag:$0x1], $0xC80, $0x38;
	[tilespmem:$0x1FEA0] =	vst v63  }
0x4c: {  	_ = 	snop  }
0x4d: {  	[spmem:s26] =	stream.linear.scatter [tilespmem:s7], [sflag:$0x1], $0xC80, $0x38;
	[tilespmem:$0x1FEA0] =	vst v63  }
0x4e: {  	_ = 	snop  }
0x4f: {  	[spmem:s28] =	stream.linear.scatter [tilespmem:s7], [sflag:$0x1], $0xC80, $0x38;
	[tilespmem:$0x1FEA0] =	vst v63  }
0x50: {  	_ = 	snop  }
0x51: {  	[spmem:s29] =	stream.linear.scatter [tilespmem:s7], [sflag:$0x1], $0xC80, $0x38;
	[tilespmem:$0x1FEA0] =	vst v63  }
0x52: {  	_ = 	snop  }
0x53: {  	[spmem:s30] =	stream.linear.scatter [tilespmem:s7], [sflag:$0x1], $0xC80, $0x38;
	[tilespmem:$0x1FEA0] =	vst v63  }
0x54: {  	_ = 	snop  }
0x55: {  	[spmem:s31] =	stream.linear.scatter [tilespmem:s7], [sflag:$0x1], $0xC80, $0x38;
	[tilespmem:$0x1FEA0] =	vst v63  }
0x56: {  	_ = 	snop  }
0x57: {  	[spmem:s0] =	stream.linear.scatter [tilespmem:s7], [sflag:$0x1], $0xC80, $0x38;
	[tilespmem:$0x1FEA0] =	vst v63  }
0x58: {  	_ = 	snop  }
0x59: {  	[spmem:s2] =	stream.linear.scatter [tilespmem:s7], [sflag:$0x1], $0xC80, $0x38;
	[tilespmem:$0x1FEA0] =	vst v63  }
0x5a: {  	_ = 	snop  }
0x5b: {  	[spmem:s5] =	stream.linear.scatter [tilespmem:s7], [sflag:$0x1], $0xC80, $0x38;
	[tilespmem:$0x1FEA0] =	vst v63  }
0x5c: {  	_ = 	snop  }
0x5d: {  	[spmem:s6] =	stream.linear.scatter [tilespmem:s7], [sflag:$0x1], $0xC80, $0x38;
	[tilespmem:$0x1FEA0] =	vst v63  }
0x5e: {  	s17 =	simm.s32 $0x0;
	s18 =	rddreg [dreg:$0x3]  }
0x5f: {  	[tilespmem:s17], [sflag:$0x5] =	stream.linear.gather [hbm4b:s18+s17], $0x2710, $0x38;
	[tilespmem:$0x1FEA0] =	vst v63  }
0x60: {  	_ =	swait.ge [sflag:s9], $0x2710  }
0x61: {  	[sflag:s9] =	ssyncset.done $0x0  }
0x62: {  	s19 =	simm.s32 $0x2710;
	s18 =	rddreg [dreg:$0x4];
	[sflag:s9] =	ssyncadd.s32 $0xFFFFD8F0  }
0x63: {  	[tilespmem:s19], [sflag:$0x5] =	stream.linear.gather [hbm4b:s18+s17], $0x2710, $0x38;
	[tilespmem:$0x1FEA0] =	vst v63  }
0x64: {  	_ =	swait.ge [sflag:s9], $0x2710  }
0x65: {  	[sflag:s9] =	ssyncset.done $0x0  }
0x66: {  	[sflag:s9] =	ssyncadd.s32 $0xFFFFD8F0  }
0x67: {  	[tilespmem:s11], [sflag:$0x2] =	stream.indirect.gather [hbm4b:s4+s10], $0x80, s17, s10, $0xb8;
	[tilespmem:$0x1FEA0] =	vst v63  }
0x68: {  	_ = 	snop  }
0x69: {  	[tilespmem:s12], [sflag:$0x3] =	stream.indirect.gather [hbm4b:s4+s10], $0x80, s10, s10, $0xb8;
	[tilespmem:$0x1FEA0] =	vst v63  }
0x6a: {  	_ =	swait.ge [sflag:s13], $0xC80  }
0x6b: {  	[sflag:s13] =	ssyncset.done $0x0  }
0x6c: {  	[sflag:s13] =	ssyncadd.s32 $0xFFFFF380  }
0x6d: {  	_ =	swait.ge [sflag:s13], $0xC80  }
0x6e: {  	[sflag:s13] =	ssyncset.done $0x0  }
0x6f: {  	[sflag:s13] =	ssyncadd.s32 $0xFFFFF380  }
0x70: {  	_ =	swait.ge [sflag:s13], $0xC80  }
0x71: {  	[sflag:s13] =	ssyncset.done $0x0  }
0x72: {  	[sflag:s13] =	ssyncadd.s32 $0xFFFFF380  }
0x73: {  	_ =	swait.ge [sflag:s13], $0xC80  }
0x74: {  	[sflag:s13] =	ssyncset.done $0x0  }
0x75: {  	[sflag:s13] =	ssyncadd.s32 $0xFFFFF380  }
0x76: {  	_ =	swait.ge [sflag:s13], $0xC80  }
0x77: {  	[sflag:s13] =	ssyncset.done $0x0  }
0x78: {  	[sflag:s13] =	ssyncadd.s32 $0xFFFFF380  }
0x79: {  	_ =	swait.ge [sflag:s13], $0xC80  }
0x7a: {  	[sflag:s13] =	ssyncset.done $0x0  }
0x7b: {  	[sflag:s13] =	ssyncadd.s32 $0xFFFFF380  }
0x7c: {  	_ =	swait.ge [sflag:s13], $0xC80  }
0x7d: {  	[sflag:s13] =	ssyncset.done $0x0  }
0x7e: {  	[sflag:s13] =	ssyncadd.s32 $0xFFFFF380  }
0x7f: {  	_ =	swait.ge [sflag:s13], $0xC80  }
0x80: {  	[sflag:s13] =	ssyncset.done $0x0  }
0x81: {  	[sflag:s13] =	ssyncadd.s32 $0xFFFFF380  }
0x82: {  	_ =	swait.ge [sflag:s13], $0xC80  }
0x83: {  	[sflag:s13] =	ssyncset.done $0x0  }
0x84: {  	[sflag:s13] =	ssyncadd.s32 $0xFFFFF380  }
0x85: {  	_ =	swait.ge [sflag:s13], $0xC80  }
0x86: {  	[sflag:s13] =	ssyncset.done $0x0  }
0x87: {  	[sflag:s13] =	ssyncadd.s32 $0xFFFFF380  }
0x88: {  	_ =	swait.ge [sflag:s13], $0xC80  }
0x89: {  	[sflag:s13] =	ssyncset.done $0x0  }
0x8a: {  	[sflag:s13] =	ssyncadd.s32 $0xFFFFF380  }
0x8b: {  	_ =	swait.ge [sflag:s13], $0xC80  }
0x8c: {  	[sflag:s13] =	ssyncset.done $0x0  }
0x8d: {  	[sflag:s13] =	ssyncadd.s32 $0xFFFFF380  }
0x8e: {  	_ =	swait.ge [sflag:s13], $0xC80  }
0x8f: {  	[sflag:s13] =	ssyncset.done $0x0  }
0x90: {  	[sflag:s13] =	ssyncadd.s32 $0xFFFFF380  }
0x91: {  	_ =	swait.ge [sflag:s13], $0xC80  }
0x92: {  	[sflag:s13] =	ssyncset.done $0x0  }
0x93: {  	[sflag:s13] =	ssyncadd.s32 $0xFFFFF380  }
0x94: {  	_ =	swait.ge [sflag:s13], $0xC80  }
0x95: {  	[sflag:s13] =	ssyncset.done $0x0  }
0x96: {  	[sflag:s13] =	ssyncadd.s32 $0xFFFFF380  }
0x97: {  	_ =	swait.ge [sflag:s13], $0xC80  }
0x98: {  	[sflag:s13] =	ssyncset.done $0x0  }
0x99: {  	[sflag:s13] =	ssyncadd.s32 $0xFFFFF380  }
0x9a: {  	_ =	swait.ge [sflag:s13], $0xC80  }
0x9b: {  	[sflag:s13] =	ssyncset.done $0x0  }
0x9c: {  	[sflag:s13] =	ssyncadd.s32 $0xFFFFF380  }
0x9d: {  	_ =	swait.ge [sflag:s13], $0xC80  }
0x9e: {  	[sflag:s13] =	ssyncset.done $0x0  }
0x9f: {  	[sflag:s13] =	ssyncadd.s32 $0xFFFFF380  }
0xa0: {  	_ =	swait.ge [sflag:s13], $0xC80  }
0xa1: {  	[sflag:s13] =	ssyncset.done $0x0  }
0xa2: {  	[sflag:s13] =	ssyncadd.s32 $0xFFFFF380  }
0xa3: {  	_ =	swait.ge [sflag:s13], $0xC80  }
0xa4: {  	[sflag:s13] =	ssyncset.done $0x0  }
0xa5: {  	[sflag:s13] =	ssyncadd.s32 $0xFFFFF380  }
0xa6: {  	_ =	swait.ge [sflag:s13], $0xC80  }
0xa7: {  	[sflag:s13] =	ssyncset.done $0x0  }
0xa8: {  	[sflag:s13] =	ssyncadd.s32 $0xFFFFF380  }
0xa9: {  	_ =	swait.ge [sflag:s13], $0xC80  }
0xaa: {  	[sflag:s13] =	ssyncset.done $0x0  }
0xab: {  	[sflag:s13] =	ssyncadd.s32 $0xFFFFF380  }
0xac: {  	_ =	swait.ge [sflag:s13], $0xC80  }
0xad: {  	[sflag:s13] =	ssyncset.done $0x0  }
0xae: {  	[sflag:s13] =	ssyncadd.s32 $0xFFFFF380  }
0xaf: {  	_ =	swait.ge [sflag:s13], $0xC80  }
0xb0: {  	[sflag:s13] =	ssyncset.done $0x0  }
0xb1: {  	[sflag:s13] =	ssyncadd.s32 $0xFFFFF380  }
0xb2: {  	_ =	swait.ge [sflag:s13], $0xC80  }
0xb3: {  	[sflag:s13] =	ssyncset.done $0x0  }
0xb4: {  	[sflag:s13] =	ssyncadd.s32 $0xFFFFF380  }
0xb5: {  	[bflag:$0x0] =	sbarrier.arrive $0xFFFF  }
0xb6: {  	_ =	swait.ge [sflag:s14], $0x2800  }
0xb7: {  	[sflag:s14] =	ssyncset.done $0x0  }
0xb8: {  	s18 =	simm.s32 $0xA0;
	[sflag:s14] =	ssyncadd.s32 $0xFFFFD800  }
0xb9: {  	[tilespmem:s7], [sflag:$0x4] =	stream.indirect.gather [hbm4b:s4+s10], $0x80, s18, s10, $0xb8;
	[tilespmem:$0x1FEA0] =	vst v63  }
0xba: {  	s19 =	simm.s32 $0x2710  }
0xbb: {  	[spmem:s1] =	stream.indirect.scatter.add.f32 [tilespmem:s11], [sflag:$0x5], $0x80, s19, s10, $0xb8;
	[tilespmem:$0x1FEA0] =	vst v63  }
0xbc: {  	_ =	swait.ge [sflag:s9], $0x2800  }
0xbd: {  	[sflag:s9] =	ssyncset.done $0x0  }
0xbe: {  	[sflag:s9] =	ssyncadd.s32 $0xFFFFD800  }
0xbf: {  	_ =	swait.ge [sflag:s15], $0x2800  }
0xc0: {  	[sflag:s15] =	ssyncset.done $0x0  }
0xc1: {  	s18 =	simm.s32 $0xF0;
	[sflag:s15] =	ssyncadd.s32 $0xFFFFD800  }
0xc2: {  	[tilespmem:s11], [sflag:$0x2] =	stream.indirect.gather [hbm4b:s4+s10], $0x80, s18, s10, $0xb8;
	[tilespmem:$0x1FEA0] =	vst v63  }
0xc3: {  	s19 =	simm.s32 $0x2760  }
0xc4: {  	[spmem:s1] =	stream.indirect.scatter.add.f32 [tilespmem:s12], [sflag:$0x5], $0x80, s19, s10, $0xb8;
	[tilespmem:$0x1FEA0] =	vst v63  }
0xc5: {  	_ =	swait.ge [sflag:s9], $0x2800  }
0xc6: {  	[sflag:s9] =	ssyncset.done $0x0  }
0xc7: {  	[sflag:s9] =	ssyncadd.s32 $0xFFFFD800  }
0xc8: {  	_ =	swait.ge [sflag:s16], $0x2800  }
0xc9: {  	[sflag:s16] =	ssyncset.done $0x0  }
0xca: {  	s18 =	simm.s32 $0x140;
	[sflag:s16] =	ssyncadd.s32 $0xFFFFD800  }
0xcb: {  	[tilespmem:s12], [sflag:$0x3] =	stream.indirect.gather [hbm4b:s4+s10], $0x80, s18, s10, $0xb8;
	[tilespmem:$0x1FEA0] =	vst v63  }
0xcc: {  	s19 =	simm.s32 $0x27B0  }
0xcd: {  	[spmem:s1] =	stream.indirect.scatter.add.f32 [tilespmem:s7], [sflag:$0x5], $0x80, s19, s10, $0xb8;
	[tilespmem:$0x1FEA0] =	vst v63  }
0xce: {  	_ =	swait.ge [sflag:s9], $0x2800  }
0xcf: {  	s17 =	simm.s32 $0x3C0;
	[sflag:s9] =	ssyncset.done $0x0  }
.LBB2_4:
0xd0: {  	p0 =	sne.s32 s17, $0x9600  }
0xd1: {  	[sflag:s9] =	ssyncadd.s32 $0xFFFFD800;
	s18 =	smov.u32 s17;
	s17 =	sadd.s32 $0x3C0, s17  }
0xd2: {  	_ = 	snop  }
0xd3: {  	_ =	swait.ge [sflag:s14], $0x2800  }
0xd4: {  	s18 =	sshra.s32 s18, $0x2;
	[sflag:s14] =	ssyncset.done $0x0  }
0xd5: {  	s19 =	sadd.s32 $0xA0, s18;
	[sflag:s14] =	ssyncadd.s32 $0xFFFFD800  }
0xd6: {  	[tilespmem:s7], [sflag:$0x4] =	stream.indirect.gather [hbm4b:s4+s10], $0x80, s19, s10, $0xb8;
	[tilespmem:$0x1FEA0] =	vst v63  }
0xd7: {  	s19 =	sadd.s32 $0x2710, s18  }
0xd8: {  	[spmem:s1] =	stream.indirect.scatter.add.f32 [tilespmem:s11], [sflag:$0x5], $0x80, s19, s10, $0xb8;
	[tilespmem:$0x1FEA0] =	vst v63  }
0xd9: {  	_ =	swait.ge [sflag:s9], $0x2800  }
0xda: {  	[sflag:s9] =	ssyncset.done $0x0  }
0xdb: {  	[sflag:s9] =	ssyncadd.s32 $0xFFFFD800  }
0xdc: {  	_ =	swait.ge [sflag:s15], $0x2800  }
0xdd: {  	[sflag:s15] =	ssyncset.done $0x0  }
0xde: {  	s19 =	sadd.s32 $0xF0, s18;
	[sflag:s15] =	ssyncadd.s32 $0xFFFFD800  }
0xdf: {  	[tilespmem:s11], [sflag:$0x2] =	stream.indirect.gather [hbm4b:s4+s10], $0x80, s19, s10, $0xb8;
	[tilespmem:$0x1FEA0] =	vst v63  }
0xe0: {  	s19 =	sadd.s32 $0x2760, s18  }
0xe1: {  	[spmem:s1] =	stream.indirect.scatter.add.f32 [tilespmem:s12], [sflag:$0x5], $0x80, s19, s10, $0xb8;
	[tilespmem:$0x1FEA0] =	vst v63  }
0xe2: {  	_ =	swait.ge [sflag:s9], $0x2800  }
0xe3: {  	[sflag:s9] =	ssyncset.done $0x0  }
0xe4: {  	[sflag:s9] =	ssyncadd.s32 $0xFFFFD800  }
0xe5: {  	_ =	swait.ge [sflag:s16], $0x2800  }
0xe6: {  	[sflag:s16] =	ssyncset.done $0x0  }
0xe7: {  	s19 =	sadd.s32 $0x140, s18;
	[sflag:s16] =	ssyncadd.s32 $0xFFFFD800  }
0xe8: {  	[tilespmem:s12], [sflag:$0x3] =	stream.indirect.gather [hbm4b:s4+s10], $0x80, s19, s10, $0xb8;
	[tilespmem:$0x1FEA0] =	vst v63  }
.Ltmp1:
0xe9: {  	_ = 	snop;
	(pc) =	sbr.rel @p0 .LBB2_4-.Ltmp1, $4  }
0xea: {  	s18 =	sadd.s32 $0x27B0, s18  }
0xeb: {  	[spmem:s1] =	stream.indirect.scatter.add.f32 [tilespmem:s7], [sflag:$0x5], $0x80, s18, s10, $0xb8;
	[tilespmem:$0x1FEA0] =	vst v63  }
0xec: {  	_ =	swait.ge [sflag:s9], $0x2800  }
0xed: {  	[sflag:s9] =	ssyncset.done $0x0  }
0xee: {  	[sflag:s9] =	ssyncadd.s32 $0xFFFFD800  }
0xef: {  	_ =	swait.ge [sflag:s14], $0x2800  }
0xf0: {  	[sflag:s14] =	ssyncset.done $0x0  }
0xf1: {  	s17 =	simm.s32 $0x4D80;
	[sflag:s14] =	ssyncadd.s32 $0xFFFFD800  }
0xf2: {  	[spmem:s1] =	stream.indirect.scatter.add.f32 [tilespmem:s11], [sflag:$0x5], $0x80, s17, s10, $0xb8;
	[tilespmem:$0x1FEA0] =	vst v63  }
0xf3: {  	_ =	swait.ge [sflag:s9], $0x2800  }
0xf4: {  	[sflag:s9] =	ssyncset.done $0x0  }
0xf5: {  	[sflag:s9] =	ssyncadd.s32 $0xFFFFD800  }
0xf6: {  	_ =	swait.ge [sflag:s15], $0x2800  }
0xf7: {  	[sflag:s15] =	ssyncset.done $0x0  }
0xf8: {  	s19 =	simm.s32 $0x4DD0;
	[sflag:s15] =	ssyncadd.s32 $0xFFFFD800  }
0xf9: {  	[spmem:s1] =	stream.indirect.scatter.add.f32 [tilespmem:s12], [sflag:$0x5], $0x80, s19, s10, $0xb8;
	[tilespmem:$0x1FEA0] =	vst v63  }
0xfa: {  	_ =	swait.ge [sflag:s9], $0x2800  }
0xfb: {  	[sflag:s9] =	ssyncset.done $0x0  }
0xfc: {  	s18 =	stileid.u32;
	[sflag:s9] =	ssyncadd.s32 $0xFFFFD800  }
0xfd: {  	s17 =	sshll.u32 s18, $0x6;
	[bflag:$0x0] =	sbarrier.arrive $0xFFFF  }
0xfe: {  	s17 =	sor.u32 $0x1C05, s17;
	s18 =	rddreg [dreg:$0x5]  }
0xff: {  	[hbm:s18], [sflag:s17] =	dma.local [spmem:s25], $0x2710  }
0x100: {  	_ =	swait.ge [sflag:s9], $0x2710  }
0x101: {  	s3 =	sadd.s32 $0x1, s3;
	s19 =	rddreg [dreg:$0x6]  }
0x102: {  	p0 =	sne.s32 s3, s19  }
.Ltmp2:
0x103: {  	_ = 	snop;
	(pc) =	sbr.rel @p0 .LBB2_1-.Ltmp2, $3  }
0x104: {  	_ =	sdelay $0x1  }
0x105: {  	[sflag:s9] =	ssyncset.done $0x0  }
0x106: {  	[sflag:s9] =	ssyncadd.s32 $0xFFFFD8F0  }
0x107: {  	_ =	sfence.sel $0x180000  }
0x108: {  	[bflag:$0x0] =	sbarrier.arrive $0xFFFF  }
0x109: {  	_ =	strace $0x9000004D  }
0x10a: {  	s0 =	stileid.u32;
	[bflag:$0x2] =	sbarrier.arrive $0xFFFF  }
0x10b: {  	p0 =	sne.s32 s0, $0x0;
	s0 =	rddreg [dreg:$0x2]  }
0x10c: {  	s0 =	sadd.s32 @!p0 $0x100000, s0  }
0x10d: {  	[sflag:s0] =	ssyncadd.tile.s32 @!p0 $0x1;
	_ =	shalt  }
.Lfunc_end2:
_tile_overlayer_lowered:
.L_overlay_start_2:
0x10e: {  	(tag) =	ssettag $0x2  }
0x10f: {  	s0 =	rddreg [dreg:$0x0];
	s2 =	stileid.u32  }
0x110: {  	s1 =	rddreg [dreg:$0x1];
	p0 =	sne.s32 s2, $0x0  }
0x111: {  	s3 =	rddreg [dreg:$0x2];
	[bflag:$0x3] =	sbarrier.arrive $0xFFFF;
	s2 =	simm.s32 @!p0 $0x1C05  }
0x112: {  	[timem:s3], [sflag:s2] =	dma.local @!p0 [hbm:s0], s1  }
0x113: {  	s0 =	simm.s32 @!p0 $0x5  }
0x114: {  	_ =	swait.ge @!p0 [sflag:s0], s1  }
0x115: {  	s1 =	ssub.s32 @!p0 $0x0, s1;
	[sflag:s0] =	ssyncset.done @!p0 $0x0  }
0x116: {  	[sflag:s0] =	ssyncadd.s32 @!p0 s1  }
0x117: {  	[bflag:$0x3] =	sbarrier.arrive $0xFFFF  }
0x118: {  	_ =	shalt  }

// kernel: kernel.9.cloned.1.call-start
scs
__scs_entry_jumppad:
0x0: {  	(pc) =	sbr.rel $0x88, $3  }
0x1: {  	(tag) =	ssettag $0x0;
	lr =	simm.s32 $0x1  }
0x2: {  	[smem:$0x3F94] =	sst lr;
	_ =	strace $0xD0000000  }
0x3: {  	_ = 	snop  }
0x4: {  	_ = 	snop  }
0x5: {  	_ = 	snop  }
0x6: {  	_ = 	snop  }
0x7: {  	_ = 	snop  }
__scs_overlays_trampoline_lowered:
0x8: {  	[smem:$0x3FA3] =	sst s0  }
0x9: {  	[smem:$0x3FA4] =	sst s1  }
0xa: {  	[smem:$0x3FA5] =	sst s2  }
0xb: {  	[smem:$0x3FA6] =	sst s3  }
0xc: {  	[smem:$0x3FA7] =	sst s4  }
0xd: {  	[smem:$0x3FA8] =	sst s5  }
0xe: {  	[smem:$0x3FA9] =	sst s6  }
0xf: {  	[smem:$0x3FAA] =	sst s7  }
0x10: {  	[smem:$0x3FAB] =	sst s8  }
0x11: {  	[smem:$0x3FAC] =	sst s9;
	s0 =	simm.s32 @!p0 $0x0  }
0x12: {  	s1 =	sld [smem:$0x3F92];
	s0 =	simm.s32 @p0 $0x1  }
0x13: {  	[smem:$0x3FAD] =	sst s0;
	s0 =	simm.s32 @!p1 $0x0  }
0x14: {  	s2 =	sld [smem:$0x3F91];
	s0 =	simm.s32 @p1 $0x1  }
0x15: {  	[smem:$0x3FAE] =	sst s0;
	s0 =	simm.s32 @!p2 $0x0  }
0x16: {  	s3 =	sld [smem:$0x3FDB];
	s0 =	simm.s32 @p2 $0x1  }
0x17: {  	s4 =	simm.s32 $0x1BF5;
	[smem:$0x3FB0] =	sst s0  }
0x18: {  	s0 =	sld [smem:$0x3F93];
	_ =	swait.ge [sflag:s4], $0x0  }
0x19: {  	s7 =	sld [smem:$0x3F94]  }
0x1a: {  	s8 =	sadd.s32 $0xFFFFE003, lr  }
0x1b: {  	s9 =	sadd.s32 $0xFFFFFEF7, lr;
	s5 =	simm.s32 $0xFFFFFFFF;
	p2 =	slt.u32 s8, $0xFFFFF086  }
0x1c: {  	p1 =	slt.u32 s9, $0xF7A;
	s5 =	simm.s32 @!p2 $0x0  }
0x1d: {  	s5 =	simm.s32 @p1 $0x1;
	p0 =	seq.s32 s7, s2  }
0x1e: {  	s7 =	smul.u32 @!p0 $0xF7A, s2;
	p2 =	seq.s32 @!p0 s5, $0x0  }
0x1f: {  	s9 =	smul.u32 $0xF7A, s1;
	s8 =	simm.s32 @!p0 $0x1BF5;
	p2 =	por !p2, p0  }
0x20: {  	[sflag:s8] =	ssyncset.s32 @!p0 $0xFFFFF086;
	s6 =	sadd.s32 @!p0 s3, s7;
	s7 =	simm.s32 @!p0 $0x108  }
0x21: {  	s3 =	sadd.s32 s3, s9;
	s6 =	sadd.s32 @!p0 $0x88, s6;
	s7 =	simm.s32 @p2 $0x1082  }
0x22: {  	[simem:s7], [sflag:s8] =	dma.local @!p0 [hbm:s6], $0xF7A  }
0x23: {  	s9 =	sor.u32 $0xD0000000, s2;
	s6 =	simm.s32 $0x108;
	_ =	swait.ge @!p0 [sflag:s8], $0x0  }
0x24: {  	s3 =	sadd.s32 $0x88, s3;
	s6 =	simm.s32 @!p1 $0x1082;
	[sflag:s4] =	ssyncset.s32 $0xFFFFF086  }
0x25: {  	[simem:s6], [sflag:s4] =	dma.local [hbm:s3], $0xF7A  }
0x26: {  	[smem:$0x3F94] =	sst s1;
	(tag) =	ssettag s2;
	_ =	strace s9  }
0x27: {  	s1 =	sld [smem:$0x3FA4]  }
0x28: {  	s2 =	sld [smem:$0x3FA5]  }
0x29: {  	s4 =	sld [smem:$0x3FA7]  }
0x2a: {  	p0 =	seq.s32 s5, $0x0;
	s5 =	sld [smem:$0x3FA8]  }
0x2b: {  	s6 =	sld [smem:$0x3FA9]  }
0x2c: {  	s7 =	sld [smem:$0x3FAA]  }
0x2d: {  	s3 =	simm.s32 $0x108;
	s8 =	sld [smem:$0x3FAB]  }
0x2e: {  	s3 =	simm.s32 @!p0 $0x1082;
	s9 =	sld [smem:$0x3FAC]  }
0x2f: {  	lr =	sadd.s32 s0, s3;
	s0 =	sld [smem:$0x3FA3]  }
0x30: {  	s3 =	sld [smem:$0x3FA6]  }
0x31: {  	[smem:$0x3FAF] =	sst s10  }
0x32: {  	s10 =	sld [smem:$0x3FAD];
	_ =	sdelay $0x3  }
0x33: {  	p0 =	seq.s32 s10, $0x1;
	s10 =	sld [smem:$0x3FAF];
	_ =	sdelay $0x3  }
0x34: {  	[smem:$0x3FAF] =	sst s10  }
0x35: {  	s10 =	sld [smem:$0x3FAE];
	_ =	sdelay $0x3  }
0x36: {  	p1 =	seq.s32 s10, $0x1;
	s10 =	sld [smem:$0x3FAF];
	_ =	sdelay $0x3  }
0x37: {  	[smem:$0x3FAF] =	sst s10  }
0x38: {  	s10 =	sld [smem:$0x3FB0]  }
0x39: {  	_ = 	snop;
	(pc) =	sbr.ind lr, $3  }
0x3a: {  	_ = 	snop  }
0x3b: {  	_ = 	snop  }
0x3c: {  	p2 =	seq.s32 s10, $0x1;
	s10 =	sld [smem:$0x3FAF]  }
0x3d: {  	_ =	shalt  }
0x3e: {  	_ =	shalt  }
0x3f: {  	_ =	shalt  }
0x40: {  	_ =	shalt  }
0x41: {  	_ =	shalt  }
0x42: {  	_ =	shalt  }
0x43: {  	_ =	shalt  }
0x44: {  	_ =	shalt  }
0x45: {  	_ =	shalt  }
0x46: {  	_ =	shalt  }
0x47: {  	_ =	shalt  }
0x48: {  	_ =	shalt  }
0x49: {  	_ =	shalt  }
0x4a: {  	_ =	shalt  }
0x4b: {  	_ =	shalt  }
0x4c: {  	_ =	shalt  }
0x4d: {  	_ =	shalt  }
0x4e: {  	_ =	shalt  }
0x4f: {  	_ =	shalt  }
0x50: {  	_ =	shalt  }
0x51: {  	_ =	shalt  }
0x52: {  	_ =	shalt  }
0x53: {  	_ =	shalt  }
0x54: {  	_ =	shalt  }
0x55: {  	_ =	shalt  }
0x56: {  	_ =	shalt  }
0x57: {  	_ =	shalt  }
0x58: {  	_ =	shalt  }
0x59: {  	_ =	shalt  }
0x5a: {  	_ =	shalt  }
0x5b: {  	_ =	shalt  }
0x5c: {  	_ =	shalt  }
0x5d: {  	_ =	shalt  }
0x5e: {  	_ =	shalt  }
0x5f: {  	_ =	shalt  }
0x60: {  	_ =	shalt  }
0x61: {  	_ =	shalt  }
0x62: {  	_ =	shalt  }
0x63: {  	_ =	shalt  }
0x64: {  	_ =	shalt  }
0x65: {  	_ =	shalt  }
0x66: {  	_ =	shalt  }
0x67: {  	_ =	shalt  }
0x68: {  	_ =	shalt  }
0x69: {  	_ =	shalt  }
0x6a: {  	_ =	shalt  }
0x6b: {  	_ =	shalt  }
0x6c: {  	_ =	shalt  }
0x6d: {  	_ =	shalt  }
0x6e: {  	_ =	shalt  }
0x6f: {  	_ =	shalt  }
0x70: {  	_ =	shalt  }
0x71: {  	_ =	shalt  }
0x72: {  	_ =	shalt  }
0x73: {  	_ =	shalt  }
0x74: {  	_ =	shalt  }
0x75: {  	_ =	shalt  }
0x76: {  	_ =	shalt  }
0x77: {  	_ =	shalt  }
0x78: {  	_ =	shalt  }
0x79: {  	_ =	shalt  }
0x7a: {  	_ =	shalt  }
0x7b: {  	_ =	shalt  }
0x7c: {  	_ =	shalt  }
0x7d: {  	_ =	shalt  }
0x7e: {  	_ =	shalt  }
0x7f: {  	_ =	shalt  }
0x80: {  	_ =	shalt  }
0x81: {  	_ =	shalt  }
0x82: {  	_ =	shalt  }
0x83: {  	_ =	shalt  }
0x84: {  	_ =	shalt  }
0x85: {  	_ =	shalt  }
0x86: {  	_ =	shalt  }
0x87: {  	_ =	shalt  }
.Lfunc_end0:
.L_simem_size_0:
called_computation_lowered:
.L_overlay_start_0:
0x88: {  	s2 =	sld [smem:$0x3FD9]  }
0x89: {  	s3 =	sld [smem:$0x3FFE];
	_ =	sdelay $0x1  }
0x8a: {  	s1 =	srdreg.scid  }
0x8b: {  	s0 =	sand.u32 $0x1, s1  }
0x8c: {  	s16 =	sshll.u32 s0, $0xA;
	s2 =	sadd.s32 s3, s2  }
0x8d: {  	s2 =	sadd.s32 s2, s16  }
0x8e: {  	[smem:$0x3FBB] =	sst s2  }
0x8f: {  	_ = 	snop  }
0x90: {  	(tm) =	ssettm $0x1  }
0x91: {  	s17 =	sld [smem:$0x3FFB];
	_ =	sdelay $0x3  }
0x92: {  	_ =	strace s17  }
0x93: {  	s2 =	sld [smem:$0x3FFC];
	_ =	sdelay $0x3  }
0x94: {  	_ =	strace s2  }
0x95: {  	s2 =	sld [smem:$0x3FFD];
	_ =	sdelay $0x3  }
0x96: {  	_ =	strace s2  }
0x97: {  	_ =	strace $0x8FFFFFFF  }
0x98: {  	s18 =	sld [smem:$0x3FDB];
	_ =	sdelay $0x1  }
0x99: {  	s19 =	simm.s32 $_scs_section_size  }
0x9a: {  	s4 =	simm.s32 $_size__tile_overlayer_lowered;
	s5 =	simm.s32 $_tile_overlayer_lowered  }
0x9b: {  	s22 =	simm.s32 $0x1BFF;
	s21 =	sshll.u32 s5, $0x1;
	s2 =	sadd.s32 s19, s18  }
0x9c: {  	s6 =	simm.s32 $0x0;
	s20 =	sshll.u32 s4, $0x1;
	s4 =	sadd.s32 s21, s2  }
0x9d: {  	[timem:s6], [sflag:s22] =	dma.local [hbm:s4], s20  }
0x9e: {  	_ =	swait.ge [sflag:s22], s20  }
0x9f: {  	s3 =	ssub.s32 $0x0, s20;
	[sflag:s22] =	ssyncset.done $0x0  }
0xa0: {  	[sflag:s22] =	ssyncadd.s32 s3;
	_ =	sdelay $0x1  }
0xa1: {  	s23 =	simm.s32 $0x1B8B  }
0xa2: {  	_ =	swait.ge [sflag:s23], $0x1  }
0xa3: {  	[sflag:s23] =	ssyncset.done $0x0  }
0xa4: {  	s25 =	simm.s32 $0x1B8E;
	s24 =	sld [smem:$0x3FFE];
	[sflag:s23] =	ssyncadd.s32 $0xFFFFFFFF  }
0xa5: {  	s26 =	simm.s32 $execute0_lowered;
	[smem:$0x3FD2] =	sst s25  }
0xa6: {  	s4 =	sshll.u32 s26, $0x1;
	_ =	strace $0x80000046;
	[dreg:$0x1] =	wrdreg $0xFFFFFFFF  }
0xa7: {  	s28 =	simm.s32 $_size_execute0_lowered;
	s2 =	sadd.s32 s2, s4;
	[dreg:$0x0] =	wrdreg $0x0  }
0xa8: {  	s4 =	sshll.u32 s28, $0x1;
	[dreg:$0x2] =	wrdreg s2  }
0xa9: {  	[dreg:$0x3] =	wrdreg s4  }
0xaa: {  	[dreg:$0x4] =	wrdreg $0xC0  }
0xab: {  	_ =	task [dreg:s6], $0x5FFFF  }
0xac: {  	[dreg:$0x1] =	wrdreg $0xFFFFFFFF  }
0xad: {  	[dreg:$0x0] =	wrdreg $0x60  }
0xae: {  	[dreg:$0x2] =	wrdreg s24  }
0xaf: {  	[dreg:$0x3] =	wrdreg $0x9  }
0xb0: {  	_ =	task.clear_ibuf [dreg:s6], $0x4FFFF;
	_ =	strace $0x90000046  }
0xb1: {  	s29 =	simm.s32 $0x9;
	_ =	strace $0x80000048  }
0xb2: {  	_ =	swait.ge [sflag:s29], $0x1  }
0xb3: {  	[sflag:s29] =	ssyncadd.s32 $0xFFFFFFFF  }
0xb4: {  	_ =	strace $0x90000048  }
0xb5: {  	_ =	sfence  }
0xb6: {  	s30 =	sld [smem:$0x0];
	_ =	sdelay $0x2  }
0xb7: {  	s31 =	sshll.u32 s1, $0xD;
	s1 =	sshrl.u32 s1, $0x2  }
0xb8: {  	s3 =	sand.u32 $0x4000, s31;
	s1 =	sadd.s32 s1, s30  }
0xb9: {  	s0 =	sor.u32 s3, s0;
	s1 =	sshll.u32 s1, $0x11  }
0xba: {  	s0 =	sor.u32 s1, s0  }
0xbb: {  	s0 =	sadd.s32 $0x8F2B, s0  }
0xbc: {  	[sflag:s0] =	ssyncadd.remote.s32 $0x1  }
0xbd: {  	_ =	sfence.sel $0xFFFF  }
0xbe: {  	[dreg:$0x0] =	wrdreg $0xFFFFFFFF;
	(pc) =	sbr.abs _section_cstart, $3  }
0xbf: {  	[dreg:$0x1] =	wrdreg $0xFFFFFFFF  }
0xc0: {  	_ =	task.clear_ibuf [dreg:s6], $0x2FFFF;
	_ =	strace $0x9FFFFFFF  }
0xc1: {  	(tm) =	ssettm $0x7FFFFFFF  }
tec
execute0_lowered:
.L_overlay_start_1:
0x0: {  	(tag) =	ssettag $0x1  }
0x1: {  	s0 =	srdreg.scid  }
0x2: {  	s3 =	sand.u32 $0x1, s0  }
0x3: {  	s4 =	rddreg [dreg:$0x0];
	s0 =	stileid.u32;
	s1 =	sshll.u32 s3, $0x4  }
0x4: {  	s2 =	simm.s32 $0x0;
	s8 =	simm.s32 $0x80;
	s5 =	sor.u32 s0, s1  }
0x5: {  	s9 =	simm.s32 $0x400;
	[smem:$0x7FF] =	sst s2;
	s6 =	sshrl.u32 s5, $0x3  }
0x6: {  	s7 =	sshll.u32 s0, $0x7;
	s3 =	ssub.s32 $0x2, s3;
	s6 =	smul.u32 $0x13C00, s6  }
0x7: {  	s1 =	rddreg [dreg:$0x1];
	s7 =	sand.u32 $0x380, s7;
	s5 =	smul.u32 $0x4E2, s5  }
0x8: {  	_ =	strace $0x80000047;
	s30 =	sshrl.u32 s3, $0x1;
	s6 =	sor.u32 s7, s6  }
0x9: {  	s31 =	ssub.s32 s3, s30;
	s5 =	sadd.s32 s5, s4;
	s6 =	sshrl.u32 s6, $0x3  }
0xa: {  	s3 =	sadd.s32 $0xC800, s5;
	s5 =	smax.u32 s31, $0x1;
	s4 =	sadd.s32 s6, s4  }
0xb: {  	v0 =	vimm.f32 $0.0e+00;
	v1 =	vimm.f32 $1.000000000e+00;
	s7 =	simm.s32 $0x2780;
	s6 =	simm.s32 $0x1;
	s4 =	sadd.s32 $0x16600, s4  }
.LBB2_1:
0xc: {  	s10 =	simm.s32 $0x40;
	s11 =	simm.s32 $0x0  }
.LBB2_2:
0xd: {  	p0 =	sne.s32 s10, $0x9C00;
	[tilespmem:s11+$0x2780] =	vst v0;
	s11 =	smov.u32 s10;
	s10 =	sadd.s32 $0x40, s10  }
.Ltmp0:
0xe: {  	(pc) =	sbr.rel @p0 .LBB2_2-.Ltmp0, $2  }
0xf: {  	_ =	sdelay $0x2  }
0x10: {  	s11 =	sshra.s32 s11, $0x2  }
0x11: {  	[tilespmem:s11+$0x2780] =	vst v0;
	s10 =	simm.s32 $0x0  }
0x12: {  	[tilespmem:s10], [sflag:$0x1] =	stream.linear.gather [hbm4b:s3+s10], $0x2710, $0x38;
	[tilespmem:$0x4F00] =	vst v63  }
0x13: {  	_ =	swait.ge [sflag:s6], $0x2710  }
0x14: {  	[sflag:s6] =	ssyncset.done $0x0  }
0x15: {  	s11 =	simm.s32 $0x0;
	s10 =	simm.s32 $0x40;
	[sflag:s6] =	ssyncadd.s32 $0xFFFFD8F0  }
.LBB2_4:
0x16: {  	p0 =	sne.s32 s10, $0x9C00;
	v2 =	vld [tilespmem:s11+$0x0];
	_ =	sdelay $0x3  }
.Ltmp1:
0x17: {  	(pc) =	sbr.rel @p0 .LBB2_4-.Ltmp1, $2  }
0x18: {  	_ =	sdelay $0x2  }
0x19: {  	s11 =	sshra.s32 s10, $0x2;
	s10 =	sadd.s32 $0x40, s10;
	[tilespmem:v2+s7+$0x0] =	vst.idx.add.f32.msk $0xffff, v1  }
0x1a: {  	v2 =	vld [tilespmem:s11+$0x0];
	_ =	sdelay $0x5  }
0x1b: {  	s2 =	sadd.s32 $0x1, s2  }
0x1c: {  	p0 =	sne.s32 s2, s5  }
.Ltmp2:
0x1d: {  	[tilespmem:v2+s7+$0x0] =	vst.idx.add.f32.msk $0xffff, v1;
	(pc) =	sbr.rel @p0 .LBB2_1-.Ltmp2, $4  }
0x1e: {  	[hbm4b:s4+s8] =	stream.strided.scatter [tilespmem:s7], [sflag:$0x1], $0x2780, s9, s8, $0x38;
	[tilespmem:$0x4F00] =	vst v63  }
0x1f: {  	_ =	swait.ge [sflag:s6], $0x2780  }
0x20: {  	[sflag:s6] =	ssyncset.done $0x0  }
0x21: {  	[sflag:s6] =	ssyncadd.s32 $0xFFFFD880  }
0x22: {  	_ =	sfence.sel $0x180000  }
0x23: {  	[bflag:$0x0] =	sbarrier.arrive $0xFFFF  }
0x24: {  	p0 =	sne.s32 s0, $0x0;
	_ =	strace $0x90000047  }
0x25: {  	s0 =	sadd.s32 @!p0 $0x100000, s1;
	[bflag:$0x2] =	sbarrier.arrive $0xFFFF  }
0x26: {  	[sflag:s0] =	ssyncadd.tile.s32 @!p0 $0x1;
	_ =	shalt  }
.Lfunc_end2:
_tile_overlayer_lowered:
.L_overlay_start_2:
0x27: {  	(tag) =	ssettag $0x2  }
0x28: {  	s0 =	rddreg [dreg:$0x0];
	s2 =	stileid.u32  }
0x29: {  	s1 =	rddreg [dreg:$0x1];
	p0 =	sne.s32 s2, $0x0  }
0x2a: {  	s3 =	rddreg [dreg:$0x2];
	[bflag:$0x3] =	sbarrier.arrive $0xFFFF;
	s2 =	simm.s32 @!p0 $0x1C01  }
0x2b: {  	[timem:s3], [sflag:s2] =	dma.local @!p0 [hbm:s0], s1  }
0x2c: {  	s0 =	simm.s32 @!p0 $0x1  }
0x2d: {  	_ =	swait.ge @!p0 [sflag:s0], s1  }
0x2e: {  	s1 =	ssub.s32 @!p0 $0x0, s1;
	[sflag:s0] =	ssyncset.done @!p0 $0x0  }
0x2f: {  	[sflag:s0] =	ssyncadd.s32 @!p0 s1  }
0x30: {  	[bflag:$0x3] =	sbarrier.arrive $0xFFFF  }
0x31: {  	_ =	shalt  }

</sc_bundles>
